<compile_context>
chip_gen: v7x
topology: tpu7x:2x2x1
jax: 0.10.2.dev20260603
libtpu: 0.0.44.dev20260713+nightly
codegen_flags: <defaults>
</compile_context>

<pallas_src>
import jax
import jax.numpy as jnp
import numpy as np
from jax import lax
from jax.experimental import pallas as pl
from jax.experimental.pallas import tpu as pltpu
from jax.experimental.pallas import tpu_sc as plsc

N = 10000
E = 320000
D = 128
DK = 32
NB = 10
MAXR = 3.0

NC = 2
NS = 16
NW = NC * NS
L = 16

NP = 10240
EPW = E // NW
GC = 400
CB = 2000
SL = NP // NS
RT = N // NS
BE = 2560


def _sc_mesh():
    return plsc.VectorSubcoreMesh(
        core_axis_name="c", subcore_axis_name="s",
        num_cores=NC, num_subcores=NS)


_SC_PARAMS = pltpu.CompilerParams(use_tc_tiling_on_sc=False,
                                  needs_layout_passes=False)


def _wid():
    return lax.axis_index("s") * NC + lax.axis_index("c")



def _proj_body(x_ref, pos_ref, wq_ref, xa_ref, qa_ref):
    xa_ref[:, :D] = x_ref[...]
    xa_ref[:, D:] = pos_ref[...]
    qa_ref[:, :DK] = jnp.dot(x_ref[...], wq_ref[...],
                             preferred_element_type=jnp.float32)
    qa_ref[:, DK:] = pos_ref[...]


def _proj_stage(x, pospad, Wq):
    return pl.pallas_call(
        _proj_body,
        out_shape=[jax.ShapeDtypeStruct((N, DXA), jnp.float32),
                   jax.ShapeDtypeStruct((N, DQA), jnp.float32)],
    )(x, pospad, Wq)


DXA = D + 16
DQA = DK + 16


RB = BE // 128
NL = E // 128


def _edge_body(xsa_ref, qa_ref, wk1t_ref, wv1t_ref, wklint_ref,
               wk2t_ref, wv2_ref, wvlin_ref, se_ref, vw_ref):
    psT = jnp.transpose(xsa_ref[:, D:DXA], (1, 0)).reshape(16, RB, 128)
    pdT = jnp.transpose(qa_ref[:, DK:DQA], (1, 0)).reshape(16, RB, 128)
    ev = pdT - psT
    r2 = jnp.sum(ev * ev, axis=0)
    r = jnp.sqrt(r2 + 1e-9)
    width = MAXR / NB
    rbf = jnp.stack([
        jnp.exp(-(((r - (MAXR / (NB - 1)) * k) / width) ** 2))
        for k in range(NB)
    ]) * np.sqrt(NB)
    rbf2 = rbf.reshape(NB, BE)
    at = jax.nn.silu(jnp.dot(wk1t_ref[...], rbf2,
                             preferred_element_type=jnp.float32))
    bt = jax.nn.silu(jnp.dot(wv1t_ref[...], rbf2,
                             preferred_element_type=jnp.float32))
    cut = 0.5 * (jnp.cos(jnp.pi * jnp.clip(r / MAXR, 0.0, 1.0)) + 1.0)

    u = jnp.dot(qa_ref[:, :DK], wklint_ref[...],
                preferred_element_type=jnp.float32)
    xs = xsa_ref[:, :D]
    p = jnp.dot(u * xs, wk2t_ref[...],
                preferred_element_type=jnp.float32)
    pT = jnp.transpose(p, (1, 0)).reshape(16, RB, 128)
    at3 = at.reshape(16, RB, 128)
    acc = at3[0] * pT[0]
    for j in range(1, 16):
        acc = acc + at3[j] * pT[j]
    se = jnp.sqrt(cut * jnp.exp(acc))
    se_ref[...] = se.reshape(1, BE)

    b = jnp.transpose(bt, (1, 0))
    wv = jnp.dot(b, wv2_ref[...], preferred_element_type=jnp.float32)
    v = jnp.dot(xs * wv, wvlin_ref[...],
                preferred_element_type=jnp.float32)
    vw_ref[...] = v * jnp.transpose(se.reshape(1, BE), (1, 0))


def _edge_stage(xsa, qa, Wk1_T, Wv1_T, Wk_lin_Ts, Wk2_T, Wv2, Wv_lin):
    nblk = E // BE
    full = lambda a: pl.BlockSpec(a.shape, lambda i: (0, 0))
    return pl.pallas_call(
        _edge_body,
        grid=(nblk,),
        in_specs=[pl.BlockSpec((BE, DXA), lambda i: (i, 0)),
                  pl.BlockSpec((BE, DQA), lambda i: (i, 0)),
                  full(Wk1_T), full(Wv1_T), full(Wk_lin_Ts), full(Wk2_T),
                  full(Wv2), full(Wv_lin)],
        out_specs=[pl.BlockSpec((1, BE), lambda i: (0, i)),
                   pl.BlockSpec((BE, D), lambda i: (i, 0))],
        out_shape=[jax.ShapeDtypeStruct((1, E), jnp.float32),
                   jax.ShapeDtypeStruct((E, D), jnp.float32)],
    )(xsa, qa, Wk1_T, Wv1_T, Wk_lin_Ts, Wk2_T, Wv2, Wv_lin)


def _finish_body(p_ref, ztp_ref, o_ref):
    zsum = jnp.sum(ztp_ref[...], axis=1, keepdims=True) + 1e-9
    o_ref[...] = (p_ref[0] + p_ref[1]) * lax.rsqrt(zsum)


def _finish_stage(outp, zpartT):
    nblk = 5
    rows = N // nblk
    return pl.pallas_call(
        _finish_body,
        grid=(nblk,),
        in_specs=[pl.BlockSpec((NC, rows, D), lambda i: (0, i, 0)),
                  pl.BlockSpec((rows, NW), lambda i: (i, 0))],
        out_specs=pl.BlockSpec((rows, D), lambda i: (i, 0)),
        out_shape=jax.ShapeDtypeStruct((N, D), jnp.float32),
    )(outp, zpartT)



GCG = 200


def _gather_body(xa_hbm, qa_hbm, src_hbm, dst_hbm,
                 xsa_out, qa_out,
                 idx_s, idx_d, xs_buf0, xs_buf1, q_buf0, q_buf1,
                 gsem, wsem0, wsem1):
    wid = _wid()
    xsb = (xs_buf0, xs_buf1)
    qb = (q_buf0, q_buf1)
    wsem = (wsem0, wsem1)

    def fire(cidx, b):
        base = wid * EPW + cidx * GCG
        pltpu.sync_copy(src_hbm.at[pl.ds(base, GCG)], idx_s)
        pltpu.sync_copy(dst_hbm.at[pl.ds(base, GCG)], idx_d)
        pltpu.async_copy(xa_hbm.at[idx_s], xsb[b], gsem).wait()
        pltpu.async_copy(qa_hbm.at[idx_d], qb[b], gsem).wait()
        pltpu.make_async_copy(
            xsb[b], xsa_out.at[pl.ds(base, GCG), :], wsem[b]).start()
        pltpu.make_async_copy(
            qb[b], qa_out.at[pl.ds(base, GCG), :], wsem[b]).start()

    def drain(b):
        base0 = wid * EPW
        pltpu.make_async_copy(
            xsb[b], xsa_out.at[pl.ds(base0, GCG), :], wsem[b]).wait()
        pltpu.make_async_copy(
            qb[b], qa_out.at[pl.ds(base0, GCG), :], wsem[b]).wait()

    fire(0, 0)
    fire(1, 1)

    def pair(cp, carry):
        for b in (0, 1):
            drain(b)
            fire(2 * cp + b, b)
        return carry

    lax.fori_loop(1, EPW // (2 * GCG), pair, 0)
    drain(0)
    drain(1)


def _gather_stage(xa, qa_table, src, dst):
    kern = pl.kernel(
        _gather_body,
        out_type=[jax.ShapeDtypeStruct((E, DXA), jnp.float32),
                  jax.ShapeDtypeStruct((E, DQA), jnp.float32)],
        mesh=_sc_mesh(),
        compiler_params=_SC_PARAMS,
        scratch_types=[pltpu.VMEM((GCG,), jnp.int32),
                       pltpu.VMEM((GCG,), jnp.int32),
                       pltpu.VMEM((GCG, DXA), jnp.float32),
                       pltpu.VMEM((GCG, DXA), jnp.float32),
                       pltpu.VMEM((GCG, DQA), jnp.float32),
                       pltpu.VMEM((GCG, DQA), jnp.float32),
                       pltpu.SemaphoreType.DMA,
                       pltpu.SemaphoreType.DMA,
                       pltpu.SemaphoreType.DMA],
    )
    return kern(xa, qa_table, src, dst)


GC2 = 200
ZR = 25


def _scatter_body(vw_hbm, se_hbm, dst_hbm, outp_out, zpart_out,
                  acc, vbuf, idxb, z_loc, seb, dstb):
    cid = lax.axis_index("c")
    sid = lax.axis_index("s")
    wid = sid * NC + cid

    def zinit(i, c):
        z_loc[pl.ds(i * L, L)] = jnp.zeros((L,), jnp.float32)
        return c

    lax.fori_loop(0, NP // L, zinit, 0)

    def zloop(r, c):
        for k in range(D // L):
            vbuf[r, pl.ds(k * L, L)] = jnp.zeros((L,), jnp.float32)
        return c

    lax.fori_loop(0, ZR, zloop, 0)

    def zcopy(t, c):
        pltpu.sync_copy(vbuf.at[pl.ds(0, ZR), :],
                        acc.at[pl.ds(sid * RT + t * ZR, ZR), :])
        return c

    lax.fori_loop(0, RT // ZR, zcopy, 0)
    plsc.subcore_barrier()

    def zchunk(ci, carry):
        base = wid * EPW + ci * CB
        pltpu.sync_copy(se_hbm.at[pl.ds(base, CB)], seb)
        pltpu.sync_copy(dst_hbm.at[pl.ds(base, CB)], dstb)

        def inner(j, c2):
            sl = pl.ds(j * L, L)
            sev = seb[sl]
            plsc.addupdate_scatter(z_loc, [dstb[sl]], sev * sev)
            return c2

        lax.fori_loop(0, CB // L, inner, 0)
        return carry

    lax.fori_loop(0, EPW // CB, zchunk, 0)

    def chunk(ci, carry):
        base = wid * EPW + ci * GC2
        pltpu.sync_copy(vw_hbm.at[pl.ds(base, GC2), :], vbuf)
        pltpu.sync_copy(dst_hbm.at[pl.ds(base, GC2)], idxb)
        pltpu.sync_copy(vbuf, acc.at[idxb], add=True)
        return carry

    lax.fori_loop(0, EPW // GC2, chunk, 0)
    plsc.subcore_barrier()
    pltpu.sync_copy(acc.at[pl.ds(sid * RT, RT), :],
                    outp_out.at[cid, pl.ds(sid * RT, RT), :])
    pltpu.sync_copy(z_loc, zpart_out.at[wid])


def _scatter_stage(vw, se, dst):
    kern = pl.kernel(
        _scatter_body,
        out_type=[jax.ShapeDtypeStruct((NC, N, D), jnp.float32),
                  jax.ShapeDtypeStruct((NW, NP), jnp.float32)],
        mesh=_sc_mesh(),
        compiler_params=_SC_PARAMS,
        scratch_types=[pltpu.VMEM_SHARED((N, D), jnp.float32),
                       pltpu.VMEM((GC2, D), jnp.float32),
                       pltpu.VMEM((GC2,), jnp.int32),
                       pltpu.VMEM((NP,), jnp.float32),
                       pltpu.VMEM((CB,), jnp.float32),
                       pltpu.VMEM((CB,), jnp.int32)],
    )
    return kern(vw, se, dst)



def kernel(x, pos, edge_index, Wq, Wk_lin, Wv_lin, Wk1, Wk2, Wv1, Wv2):
    src = edge_index[0]
    dst = edge_index[1]
    pospad = jnp.pad(pos, ((0, 0), (0, 13)))
    xa, qa_table = _proj_stage(x, pospad, Wq)
    xsa, qa = _gather_stage(xa, qa_table, src, dst)
    se, vw = _edge_stage(xsa, qa, Wk1.T, Wv1.T,
                         Wk_lin.T * (1.0 / np.sqrt(DK)), Wk2.T, Wv2, Wv_lin)
    outp, zpart = _scatter_stage(vw, se.reshape(E), dst)
    return _finish_stage(outp, zpart.T[:N])

# --- scband reference (transcript-rebuilt; emitter-appended) ---
"""Pipeline reference for scband-e3-transformer-68496138436697 (READ-ONLY COPY).

The authoritative reference and input builder live on the scoring server;
editing this copy changes nothing except your own understanding.
"""

import jax, jax.numpy as jnp
import numpy as np

N = 10000
E = 320000
D = 128
DK = 32
NB = 10
MAXR = 3.0


def setup_inputs(seed: int = 0) -> dict:
    key = jax.random.key(seed)
    ks = jax.random.split(key, 12)
    x = jax.random.normal(ks[0], (N, D), dtype=jnp.float32)
    pos = jax.random.normal(ks[1], (N, 3), dtype=jnp.float32)
    edge_index = jax.random.randint(ks[2], (2, E), 0, N, dtype=jnp.int32)

    def s(k, sh):
        return jax.random.normal(k, sh, dtype=jnp.float32) / np.sqrt(sh[0])

    return {
        "x": x,
        "pos": pos,
        "edge_index": edge_index,
        "Wq": s(ks[3], (D, DK)),
        "Wk_lin": s(ks[4], (D, DK)),
        "Wv_lin": s(ks[5], (D, D)),
        "Wk1": s(ks[6], (NB, 16)),
        "Wk2": s(ks[7], (16, D)),
        "Wv1": s(ks[8], (NB, 16)),
        "Wv2": s(ks[9], (16, D)),
    }


def _fwd(x, pos, Wq, Wk_lin, Wv_lin, Wk1, Wk2, Wv1, Wv2, edge_index):
    src = edge_index[0]
    dst = edge_index[1]
    # relative edge geometry
    evec = jnp.take(pos, dst, axis=0) - jnp.take(pos, src, axis=0)
    r = jnp.sqrt(jnp.sum(evec * evec, axis=-1) + 1e-9)
    # soft one-hot radial basis embedding of edge length (number_of_basis = NB)
    centers = jnp.linspace(0.0, MAXR, NB)
    width = MAXR / NB
    rbf = jnp.exp(-(((r[:, None] - centers[None, :]) / width) ** 2)) * np.sqrt(NB)
    # smooth radial cutoff (edge_weight_cutoff)
    cut = 0.5 * (jnp.cos(jnp.pi * jnp.clip(r / MAXR, 0.0, 1.0)) + 1.0)
    # fc_k / fc_v: FullyConnectedNet([NB, 16, weight_numel], silu) producing per-edge tp weights
    wk = jax.nn.silu(rbf @ Wk1) @ Wk2  # [E, D]
    wv = jax.nn.silu(rbf @ Wv1) @ Wv2  # [E, D]
    xs = jnp.take(x, src, axis=0)  # gather source node features
    # h_q: o3.Linear on scalar irreps -> dense linear, gathered at dst
    q = jnp.take(x @ Wq, dst, axis=0)  # [E, DK]
    # tp_k / tp_v: per-edge weighted tensor product (depthwise x linear factorization on 0e irreps)
    k = (xs * wk) @ Wk_lin  # [E, DK]
    v = (xs * wv) @ Wv_lin  # [E, D]
    # attention logits with numerically-stable segment softmax over incoming edges
    logits = jnp.sum(q * k, axis=-1) / np.sqrt(DK)
    m = jax.ops.segment_max(logits, dst, num_segments=N)
    m = jax.lax.stop_gradient(jnp.where(jnp.isfinite(m), m, 0.0))
    e = cut * jnp.exp(logits - jnp.take(m, dst))
    z = jax.ops.segment_sum(e, dst, num_segments=N)
    alpha = e / (jnp.take(z, dst) + 1e-9)
    out = jax.ops.segment_sum(
        jnp.sqrt(jax.nn.relu(alpha) + 1e-12)[:, None] * v, dst, num_segments=N
    )
    return out


def reference(x, pos, edge_index, Wq, Wk_lin, Wv_lin, Wk1, Wk2, Wv1, Wv2):
    return _fwd(x, pos, Wq, Wk_lin, Wv_lin, Wk1, Wk2, Wv1, Wv2, edge_index)

if __name__ == "__main__":
    import jax
    _d = setup_inputs()
    print(jax.jit(kernel)(*tuple(_d.values())))

</pallas_src>

<mosaic_0001>
#map = affine_map<(d0, d1) -> (0, 0)>
#map1 = affine_map<(d0, d1) -> (0)>
module attributes {stable_mosaic.version = 14 : i64} {
  func.func @_gather_body(%arg0: i32, %arg1: i32, %arg2: memref<10000x144xf32, #tpu.memory_space<hbm>>, %arg3: memref<10000x48xf32, #tpu.memory_space<hbm>>, %arg4: memref<320000xi32, #tpu.memory_space<hbm>>, %arg5: memref<320000xi32, #tpu.memory_space<hbm>>, %arg6: memref<320000x144xf32, #tpu.memory_space<hbm>>, %arg7: memref<320000x48xf32, #tpu.memory_space<hbm>>, %arg8: memref<200xi32, #tpu.memory_space<vmem>>, %arg9: memref<200xi32, #tpu.memory_space<vmem>>, %arg10: memref<200x144xf32, #tpu.memory_space<vmem>>, %arg11: memref<200x144xf32, #tpu.memory_space<vmem>>, %arg12: memref<200x48xf32, #tpu.memory_space<vmem>>, %arg13: memref<200x48xf32, #tpu.memory_space<vmem>>, %arg14: memref<!tpu.dma_semaphore, #tpu.memory_space<semaphore_mem>>, %arg15: memref<!tpu.dma_semaphore, #tpu.memory_space<semaphore_mem>>, %arg16: memref<!tpu.dma_semaphore, #tpu.memory_space<semaphore_mem>>) attributes {dimension_semantics = [#tpu.dimension_semantics<core_parallel>, #tpu.dimension_semantics<subcore_parallel>], iteration_bounds = array<i64: 2, 16>, scalar_prefetch = 0 : i64, scratch_operands = 9 : i64, tpu.core_type = #tpu.core_type<sc_vector_subcore>, window_params = [{transform_indices = #map}, {transform_indices = #map}, {transform_indices = #map1}, {transform_indices = #map1}, {transform_indices = #map}, {transform_indices = #map}]} {
    %mul3A = arith.constant 2 : i32
    %mul3A_0 = arith.muli %arg1, %mul3A : i32
    %add3A = arith.addi %mul3A_0, %arg0 : i32
    %mul3A_1 = arith.constant 10000 : i32
    %mul3A_2 = arith.muli %add3A, %mul3A_1 : i32
    %add3A_3 = arith.constant 0 : i32
    %add3A_4 = arith.addi %mul3A_2, %add3A_3 : i32
    "tpu.region"() ({
      %run_scoped3A = tpu.sem_alloc : memref<!tpu.dma_semaphore, #tpu.memory_space<semaphore_mem>>
      %dma_start3A_72 = tpu.memref_slice %arg4[%add3A_4] : memref<320000xi32, #tpu.memory_space<hbm>> -> memref<200xi32, #tpu.memory_space<hbm>>
      %dma_start3A_73 = tpu.memref_slice %arg4[%add3A_4] : memref<320000xi32, #tpu.memory_space<hbm>> -> memref<200xi32, #tpu.memory_space<hbm>>
      tpu.enqueue_dma source(%dma_start3A_73 : memref<200xi32, #tpu.memory_space<hbm>>) target(%arg8 : memref<200xi32, #tpu.memory_space<vmem>>) target_semaphore(%run_scoped3A : memref<!tpu.dma_semaphore, #tpu.memory_space<semaphore_mem>>)
      %dma_wait3A_74 = tpu.memref_slice %arg4[%add3A_4] : memref<320000xi32, #tpu.memory_space<hbm>> -> memref<200xi32, #tpu.memory_space<hbm>>
      %dma_wait3A_75 = tpu.memref_slice %arg4[%add3A_4] : memref<320000xi32, #tpu.memory_space<hbm>> -> memref<200xi32, #tpu.memory_space<hbm>>
      tpu.wait_dma2 semaphore(%run_scoped3A : memref<!tpu.dma_semaphore, #tpu.memory_space<semaphore_mem>>) src(%dma_wait3A_75 : memref<200xi32, #tpu.memory_space<hbm>>) dst(%arg8 : memref<200xi32, #tpu.memory_space<vmem>>)
      tpu.yield
    }) : () -> ()
    "tpu.region"() ({
      %run_scoped3A = tpu.sem_alloc : memref<!tpu.dma_semaphore, #tpu.memory_space<semaphore_mem>>
      %dma_start3A_72 = tpu.memref_slice %arg5[%add3A_4] : memref<320000xi32, #tpu.memory_space<hbm>> -> memref<200xi32, #tpu.memory_space<hbm>>
      %dma_start3A_73 = tpu.memref_slice %arg5[%add3A_4] : memref<320000xi32, #tpu.memory_space<hbm>> -> memref<200xi32, #tpu.memory_space<hbm>>
      tpu.enqueue_dma source(%dma_start3A_73 : memref<200xi32, #tpu.memory_space<hbm>>) target(%arg9 : memref<200xi32, #tpu.memory_space<vmem>>) target_semaphore(%run_scoped3A : memref<!tpu.dma_semaphore, #tpu.memory_space<semaphore_mem>>)
      %dma_wait3A_74 = tpu.memref_slice %arg5[%add3A_4] : memref<320000xi32, #tpu.memory_space<hbm>> -> memref<200xi32, #tpu.memory_space<hbm>>
      %dma_wait3A_75 = tpu.memref_slice %arg5[%add3A_4] : memref<320000xi32, #tpu.memory_space<hbm>> -> memref<200xi32, #tpu.memory_space<hbm>>
      tpu.wait_dma2 semaphore(%run_scoped3A : memref<!tpu.dma_semaphore, #tpu.memory_space<semaphore_mem>>) src(%dma_wait3A_75 : memref<200xi32, #tpu.memory_space<hbm>>) dst(%arg9 : memref<200xi32, #tpu.memory_space<vmem>>)
      tpu.yield
    }) : () -> ()
    %dma_start3A = arith.constant 0 : i32
    %dma_start3A_5 = arith.constant 0 : i32
    %dma_start3A_6 = tpu.memref_slice %arg2[%dma_start3A, %dma_start3A_5] : memref<10000x144xf32, #tpu.memory_space<hbm>> -> memref<10000x144xf32, #tpu.memory_space<hbm>>
    tpu.enqueue_indirect_dma source(%dma_start3A_6 : memref<10000x144xf32, #tpu.memory_space<hbm>>) target(%arg10 : memref<200x144xf32, #tpu.memory_space<vmem>>) offsets(%arg8 : memref<200xi32, #tpu.memory_space<vmem>>) semaphore(%arg14 : memref<!tpu.dma_semaphore, #tpu.memory_space<semaphore_mem>>)
    %dma_wait3A = arith.constant 0 : i32
    %dma_wait3A_7 = arith.constant 0 : i32
    %dma_wait3A_8 = tpu.memref_slice %arg2[%dma_wait3A, %dma_wait3A_7] : memref<10000x144xf32, #tpu.memory_space<hbm>> -> memref<10000x144xf32, #tpu.memory_space<hbm>>
    tpu.wait_indirect_dma semaphore(%arg14 : memref<!tpu.dma_semaphore, #tpu.memory_space<semaphore_mem>>) src(%dma_wait3A_8 : memref<10000x144xf32, #tpu.memory_space<hbm>>) dst(%arg10 : memref<200x144xf32, #tpu.memory_space<vmem>>)
    %dma_start3A_9 = arith.constant 0 : i32
    %dma_start3A_10 = arith.constant 0 : i32
    %dma_start3A_11 = tpu.memref_slice %arg3[%dma_start3A_9, %dma_start3A_10] : memref<10000x48xf32, #tpu.memory_space<hbm>> -> memref<10000x48xf32, #tpu.memory_space<hbm>>
    tpu.enqueue_indirect_dma source(%dma_start3A_11 : memref<10000x48xf32, #tpu.memory_space<hbm>>) target(%arg12 : memref<200x48xf32, #tpu.memory_space<vmem>>) offsets(%arg9 : memref<200xi32, #tpu.memory_space<vmem>>) semaphore(%arg14 : memref<!tpu.dma_semaphore, #tpu.memory_space<semaphore_mem>>)
    %dma_wait3A_12 = arith.constant 0 : i32
    %dma_wait3A_13 = arith.constant 0 : i32
    %dma_wait3A_14 = tpu.memref_slice %arg3[%dma_wait3A_12, %dma_wait3A_13] : memref<10000x48xf32, #tpu.memory_space<hbm>> -> memref<10000x48xf32, #tpu.memory_space<hbm>>
    tpu.wait_indirect_dma semaphore(%arg14 : memref<!tpu.dma_semaphore, #tpu.memory_space<semaphore_mem>>) src(%dma_wait3A_14 : memref<10000x48xf32, #tpu.memory_space<hbm>>) dst(%arg12 : memref<200x48xf32, #tpu.memory_space<vmem>>)
    %dma_start3A_15 = arith.constant 0 : i32
    %dma_start3A_16 = tpu.memref_slice %arg6[%add3A_4, %dma_start3A_15] : memref<320000x144xf32, #tpu.memory_space<hbm>> -> memref<200x144xf32, #tpu.memory_space<hbm>>
    %dma_start3A_17 = arith.constant 0 : i32
    %dma_start3A_18 = tpu.memref_slice %arg6[%add3A_4, %dma_start3A_17] : memref<320000x144xf32, #tpu.memory_space<hbm>> -> memref<200x144xf32, #tpu.memory_space<hbm>>
    tpu.enqueue_dma source(%arg10 : memref<200x144xf32, #tpu.memory_space<vmem>>) target(%dma_start3A_18 : memref<200x144xf32, #tpu.memory_space<hbm>>) target_semaphore(%arg15 : memref<!tpu.dma_semaphore, #tpu.memory_space<semaphore_mem>>)
    %dma_start3A_19 = arith.constant 0 : i32
    %dma_start3A_20 = tpu.memref_slice %arg7[%add3A_4, %dma_start3A_19] : memref<320000x48xf32, #tpu.memory_space<hbm>> -> memref<200x48xf32, #tpu.memory_space<hbm>>
    %dma_start3A_21 = arith.constant 0 : i32
    %dma_start3A_22 = tpu.memref_slice %arg7[%add3A_4, %dma_start3A_21] : memref<320000x48xf32, #tpu.memory_space<hbm>> -> memref<200x48xf32, #tpu.memory_space<hbm>>
    tpu.enqueue_dma source(%arg12 : memref<200x48xf32, #tpu.memory_space<vmem>>) target(%dma_start3A_22 : memref<200x48xf32, #tpu.memory_space<hbm>>) target_semaphore(%arg15 : memref<!tpu.dma_semaphore, #tpu.memory_space<semaphore_mem>>)
    %mul3A_23 = arith.constant 10000 : i32
    %mul3A_24 = arith.muli %add3A, %mul3A_23 : i32
    %add3A_25 = arith.constant 200 : i32
    %add3A_26 = arith.addi %mul3A_24, %add3A_25 : i32
    "tpu.region"() ({
      %run_scoped3A = tpu.sem_alloc : memref<!tpu.dma_semaphore, #tpu.memory_space<semaphore_mem>>
      %dma_start3A_72 = tpu.memref_slice %arg4[%add3A_26] : memref<320000xi32, #tpu.memory_space<hbm>> -> memref<200xi32, #tpu.memory_space<hbm>>
      %dma_start3A_73 = tpu.memref_slice %arg4[%add3A_26] : memref<320000xi32, #tpu.memory_space<hbm>> -> memref<200xi32, #tpu.memory_space<hbm>>
      tpu.enqueue_dma source(%dma_start3A_73 : memref<200xi32, #tpu.memory_space<hbm>>) target(%arg8 : memref<200xi32, #tpu.memory_space<vmem>>) target_semaphore(%run_scoped3A : memref<!tpu.dma_semaphore, #tpu.memory_space<semaphore_mem>>)
      %dma_wait3A_74 = tpu.memref_slice %arg4[%add3A_26] : memref<320000xi32, #tpu.memory_space<hbm>> -> memref<200xi32, #tpu.memory_space<hbm>>
      %dma_wait3A_75 = tpu.memref_slice %arg4[%add3A_26] : memref<320000xi32, #tpu.memory_space<hbm>> -> memref<200xi32, #tpu.memory_space<hbm>>
      tpu.wait_dma2 semaphore(%run_scoped3A : memref<!tpu.dma_semaphore, #tpu.memory_space<semaphore_mem>>) src(%dma_wait3A_75 : memref<200xi32, #tpu.memory_space<hbm>>) dst(%arg8 : memref<200xi32, #tpu.memory_space<vmem>>)
      tpu.yield
    }) : () -> ()
    "tpu.region"() ({
      %run_scoped3A = tpu.sem_alloc : memref<!tpu.dma_semaphore, #tpu.memory_space<semaphore_mem>>
      %dma_start3A_72 = tpu.memref_slice %arg5[%add3A_26] : memref<320000xi32, #tpu.memory_space<hbm>> -> memref<200xi32, #tpu.memory_space<hbm>>
      %dma_start3A_73 = tpu.memref_slice %arg5[%add3A_26] : memref<320000xi32, #tpu.memory_space<hbm>> -> memref<200xi32, #tpu.memory_space<hbm>>
      tpu.enqueue_dma source(%dma_start3A_73 : memref<200xi32, #tpu.memory_space<hbm>>) target(%arg9 : memref<200xi32, #tpu.memory_space<vmem>>) target_semaphore(%run_scoped3A : memref<!tpu.dma_semaphore, #tpu.memory_space<semaphore_mem>>)
      %dma_wait3A_74 = tpu.memref_slice %arg5[%add3A_26] : memref<320000xi32, #tpu.memory_space<hbm>> -> memref<200xi32, #tpu.memory_space<hbm>>
      %dma_wait3A_75 = tpu.memref_slice %arg5[%add3A_26] : memref<320000xi32, #tpu.memory_space<hbm>> -> memref<200xi32, #tpu.memory_space<hbm>>
      tpu.wait_dma2 semaphore(%run_scoped3A : memref<!tpu.dma_semaphore, #tpu.memory_space<semaphore_mem>>) src(%dma_wait3A_75 : memref<200xi32, #tpu.memory_space<hbm>>) dst(%arg9 : memref<200xi32, #tpu.memory_space<vmem>>)
      tpu.yield
    }) : () -> ()
    %dma_start3A_27 = arith.constant 0 : i32
    %dma_start3A_28 = arith.constant 0 : i32
    %dma_start3A_29 = tpu.memref_slice %arg2[%dma_start3A_27, %dma_start3A_28] : memref<10000x144xf32, #tpu.memory_space<hbm>> -> memref<10000x144xf32, #tpu.memory_space<hbm>>
    tpu.enqueue_indirect_dma source(%dma_start3A_29 : memref<10000x144xf32, #tpu.memory_space<hbm>>) target(%arg11 : memref<200x144xf32, #tpu.memory_space<vmem>>) offsets(%arg8 : memref<200xi32, #tpu.memory_space<vmem>>) semaphore(%arg14 : memref<!tpu.dma_semaphore, #tpu.memory_space<semaphore_mem>>)
    %dma_wait3A_30 = arith.constant 0 : i32
    %dma_wait3A_31 = arith.constant 0 : i32
    %dma_wait3A_32 = tpu.memref_slice %arg2[%dma_wait3A_30, %dma_wait3A_31] : memref<10000x144xf32, #tpu.memory_space<hbm>> -> memref<10000x144xf32, #tpu.memory_space<hbm>>
    tpu.wait_indirect_dma semaphore(%arg14 : memref<!tpu.dma_semaphore, #tpu.memory_space<semaphore_mem>>) src(%dma_wait3A_32 : memref<10000x144xf32, #tpu.memory_space<hbm>>) dst(%arg11 : memref<200x144xf32, #tpu.memory_space<vmem>>)
    %dma_start3A_33 = arith.constant 0 : i32
    %dma_start3A_34 = arith.constant 0 : i32
    %dma_start3A_35 = tpu.memref_slice %arg3[%dma_start3A_33, %dma_start3A_34] : memref<10000x48xf32, #tpu.memory_space<hbm>> -> memref<10000x48xf32, #tpu.memory_space<hbm>>
    tpu.enqueue_indirect_dma source(%dma_start3A_35 : memref<10000x48xf32, #tpu.memory_space<hbm>>) target(%arg13 : memref<200x48xf32, #tpu.memory_space<vmem>>) offsets(%arg9 : memref<200xi32, #tpu.memory_space<vmem>>) semaphore(%arg14 : memref<!tpu.dma_semaphore, #tpu.memory_space<semaphore_mem>>)
    %dma_wait3A_36 = arith.constant 0 : i32
    %dma_wait3A_37 = arith.constant 0 : i32
    %dma_wait3A_38 = tpu.memref_slice %arg3[%dma_wait3A_36, %dma_wait3A_37] : memref<10000x48xf32, #tpu.memory_space<hbm>> -> memref<10000x48xf32, #tpu.memory_space<hbm>>
    tpu.wait_indirect_dma semaphore(%arg14 : memref<!tpu.dma_semaphore, #tpu.memory_space<semaphore_mem>>) src(%dma_wait3A_38 : memref<10000x48xf32, #tpu.memory_space<hbm>>) dst(%arg13 : memref<200x48xf32, #tpu.memory_space<vmem>>)
    %dma_start3A_39 = arith.constant 0 : i32
    %dma_start3A_40 = tpu.memref_slice %arg6[%add3A_26, %dma_start3A_39] : memref<320000x144xf32, #tpu.memory_space<hbm>> -> memref<200x144xf32, #tpu.memory_space<hbm>>
    %dma_start3A_41 = arith.constant 0 : i32
    %dma_start3A_42 = tpu.memref_slice %arg6[%add3A_26, %dma_start3A_41] : memref<320000x144xf32, #tpu.memory_space<hbm>> -> memref<200x144xf32, #tpu.memory_space<hbm>>
    tpu.enqueue_dma source(%arg11 : memref<200x144xf32, #tpu.memory_space<vmem>>) target(%dma_start3A_42 : memref<200x144xf32, #tpu.memory_space<hbm>>) target_semaphore(%arg16 : memref<!tpu.dma_semaphore, #tpu.memory_space<semaphore_mem>>)
    %dma_start3A_43 = arith.constant 0 : i32
    %dma_start3A_44 = tpu.memref_slice %arg7[%add3A_26, %dma_start3A_43] : memref<320000x48xf32, #tpu.memory_space<hbm>> -> memref<200x48xf32, #tpu.memory_space<hbm>>
    %dma_start3A_45 = arith.constant 0 : i32
    %dma_start3A_46 = tpu.memref_slice %arg7[%add3A_26, %dma_start3A_45] : memref<320000x48xf32, #tpu.memory_space<hbm>> -> memref<200x48xf32, #tpu.memory_space<hbm>>
    tpu.enqueue_dma source(%arg13 : memref<200x48xf32, #tpu.memory_space<vmem>>) target(%dma_start3A_46 : memref<200x48xf32, #tpu.memory_space<hbm>>) target_semaphore(%arg16 : memref<!tpu.dma_semaphore, #tpu.memory_space<semaphore_mem>>)
    %scan3A = arith.constant 0 : i32
    %scan3A_47 = arith.constant 1 : i32
    %scan3A_48 = arith.constant 24 : i32
    %scan3A_49 = arith.addi %scan3A_47, %scan3A_48 : i32
    %scan3A_50 = arith.constant 1 : i32
    scf.for %scan3A_72 = %scan3A_47 to %scan3A_49 step %scan3A_50  : i32 {
      %mul3A_73 = arith.constant 10000 : i32
      %mul3A_74 = arith.muli %add3A, %mul3A_73 : i32
      %dma_wait3A_75 = arith.constant 0 : i32
      %dma_wait3A_76 = tpu.memref_slice %arg6[%mul3A_74, %dma_wait3A_75] : memref<320000x144xf32, #tpu.memory_space<hbm>> -> memref<200x144xf32, #tpu.memory_space<hbm>>
      %dma_wait3A_77 = arith.constant 0 : i32
      %dma_wait3A_78 = tpu.memref_slice %arg6[%mul3A_74, %dma_wait3A_77] : memref<320000x144xf32, #tpu.memory_space<hbm>> -> memref<200x144xf32, #tpu.memory_space<hbm>>
      tpu.wait_dma2 semaphore(%arg15 : memref<!tpu.dma_semaphore, #tpu.memory_space<semaphore_mem>>) src(%arg10 : memref<200x144xf32, #tpu.memory_space<vmem>>) dst(%dma_wait3A_78 : memref<200x144xf32, #tpu.memory_space<hbm>>)
      %dma_wait3A_79 = arith.constant 0 : i32
      %dma_wait3A_80 = tpu.memref_slice %arg7[%mul3A_74, %dma_wait3A_79] : memref<320000x48xf32, #tpu.memory_space<hbm>> -> memref<200x48xf32, #tpu.memory_space<hbm>>
      %dma_wait3A_81 = arith.constant 0 : i32
      %dma_wait3A_82 = tpu.memref_slice %arg7[%mul3A_74, %dma_wait3A_81] : memref<320000x48xf32, #tpu.memory_space<hbm>> -> memref<200x48xf32, #tpu.memory_space<hbm>>
      tpu.wait_dma2 semaphore(%arg15 : memref<!tpu.dma_semaphore, #tpu.memory_space<semaphore_mem>>) src(%arg12 : memref<200x48xf32, #tpu.memory_space<vmem>>) dst(%dma_wait3A_82 : memref<200x48xf32, #tpu.memory_space<hbm>>)
      %mul3A_83 = arith.constant 2 : i32
      %mul3A_84 = arith.muli %mul3A_83, %scan3A_72 : i32
      %add3A_85 = arith.constant 0 : i32
      %add3A_86 = arith.addi %mul3A_84, %add3A_85 : i32
      %mul3A_87 = arith.constant 10000 : i32
      %mul3A_88 = arith.muli %add3A, %mul3A_87 : i32
      %mul3A_89 = arith.constant 200 : i32
      %mul3A_90 = arith.muli %add3A_86, %mul3A_89 : i32
      %add3A_91 = arith.addi %mul3A_88, %mul3A_90 : i32
      "tpu.region"() ({
        %run_scoped3A = tpu.sem_alloc : memref<!tpu.dma_semaphore, #tpu.memory_space<semaphore_mem>>
        %dma_start3A_151 = tpu.memref_slice %arg4[%add3A_91] : memref<320000xi32, #tpu.memory_space<hbm>> -> memref<200xi32, #tpu.memory_space<hbm>>
        %dma_start3A_152 = tpu.memref_slice %arg4[%add3A_91] : memref<320000xi32, #tpu.memory_space<hbm>> -> memref<200xi32, #tpu.memory_space<hbm>>
        tpu.enqueue_dma source(%dma_start3A_152 : memref<200xi32, #tpu.memory_space<hbm>>) target(%arg8 : memref<200xi32, #tpu.memory_space<vmem>>) target_semaphore(%run_scoped3A : memref<!tpu.dma_semaphore, #tpu.memory_space<semaphore_mem>>)
        %dma_wait3A_153 = tpu.memref_slice %arg4[%add3A_91] : memref<320000xi32, #tpu.memory_space<hbm>> -> memref<200xi32, #tpu.memory_space<hbm>>
        %dma_wait3A_154 = tpu.memref_slice %arg4[%add3A_91] : memref<320000xi32, #tpu.memory_space<hbm>> -> memref<200xi32, #tpu.memory_space<hbm>>
        tpu.wait_dma2 semaphore(%run_scoped3A : memref<!tpu.dma_semaphore, #tpu.memory_space<semaphore_mem>>) src(%dma_wait3A_154 : memref<200xi32, #tpu.memory_space<hbm>>) dst(%arg8 : memref<200xi32, #tpu.memory_space<vmem>>)
        tpu.yield
      }) : () -> ()
      "tpu.region"() ({
        %run_scoped3A = tpu.sem_alloc : memref<!tpu.dma_semaphore, #tpu.memory_space<semaphore_mem>>
        %dma_start3A_151 = tpu.memref_slice %arg5[%add3A_91] : memref<320000xi32, #tpu.memory_space<hbm>> -> memref<200xi32, #tpu.memory_space<hbm>>
        %dma_start3A_152 = tpu.memref_slice %arg5[%add3A_91] : memref<320000xi32, #tpu.memory_space<hbm>> -> memref<200xi32, #tpu.memory_space<hbm>>
        tpu.enqueue_dma source(%dma_start3A_152 : memref<200xi32, #tpu.memory_space<hbm>>) target(%arg9 : memref<200xi32, #tpu.memory_space<vmem>>) target_semaphore(%run_scoped3A : memref<!tpu.dma_semaphore, #tpu.memory_space<semaphore_mem>>)
        %dma_wait3A_153 = tpu.memref_slice %arg5[%add3A_91] : memref<320000xi32, #tpu.memory_space<hbm>> -> memref<200xi32, #tpu.memory_space<hbm>>
        %dma_wait3A_154 = tpu.memref_slice %arg5[%add3A_91] : memref<320000xi32, #tpu.memory_space<hbm>> -> memref<200xi32, #tpu.memory_space<hbm>>
        tpu.wait_dma2 semaphore(%run_scoped3A : memref<!tpu.dma_semaphore, #tpu.memory_space<semaphore_mem>>) src(%dma_wait3A_154 : memref<200xi32, #tpu.memory_space<hbm>>) dst(%arg9 : memref<200xi32, #tpu.memory_space<vmem>>)
        tpu.yield
      }) : () -> ()
      %dma_start3A_92 = arith.constant 0 : i32
      %dma_start3A_93 = arith.constant 0 : i32
      %dma_start3A_94 = tpu.memref_slice %arg2[%dma_start3A_92, %dma_start3A_93] : memref<10000x144xf32, #tpu.memory_space<hbm>> -> memref<10000x144xf32, #tpu.memory_space<hbm>>
      tpu.enqueue_indirect_dma source(%dma_start3A_94 : memref<10000x144xf32, #tpu.memory_space<hbm>>) target(%arg10 : memref<200x144xf32, #tpu.memory_space<vmem>>) offsets(%arg8 : memref<200xi32, #tpu.memory_space<vmem>>) semaphore(%arg14 : memref<!tpu.dma_semaphore, #tpu.memory_space<semaphore_mem>>)
      %dma_wait3A_95 = arith.constant 0 : i32
      %dma_wait3A_96 = arith.constant 0 : i32
      %dma_wait3A_97 = tpu.memref_slice %arg2[%dma_wait3A_95, %dma_wait3A_96] : memref<10000x144xf32, #tpu.memory_space<hbm>> -> memref<10000x144xf32, #tpu.memory_space<hbm>>
      tpu.wait_indirect_dma semaphore(%arg14 : memref<!tpu.dma_semaphore, #tpu.memory_space<semaphore_mem>>) src(%dma_wait3A_97 : memref<10000x144xf32, #tpu.memory_space<hbm>>) dst(%arg10 : memref<200x144xf32, #tpu.memory_space<vmem>>)
      %dma_start3A_98 = arith.constant 0 : i32
      %dma_start3A_99 = arith.constant 0 : i32
      %dma_start3A_100 = tpu.memref_slice %arg3[%dma_start3A_98, %dma_start3A_99] : memref<10000x48xf32, #tpu.memory_space<hbm>> -> memref<10000x48xf32, #tpu.memory_space<hbm>>
      tpu.enqueue_indirect_dma source(%dma_start3A_100 : memref<10000x48xf32, #tpu.memory_space<hbm>>) target(%arg12 : memref<200x48xf32, #tpu.memory_space<vmem>>) offsets(%arg9 : memref<200xi32, #tpu.memory_space<vmem>>) semaphore(%arg14 : memref<!tpu.dma_semaphore, #tpu.memory_space<semaphore_mem>>)
      %dma_wait3A_101 = arith.constant 0 : i32
      %dma_wait3A_102 = arith.constant 0 : i32
      %dma_wait3A_103 = tpu.memref_slice %arg3[%dma_wait3A_101, %dma_wait3A_102] : memref<10000x48xf32, #tpu.memory_space<hbm>> -> memref<10000x48xf32, #tpu.memory_space<hbm>>
      tpu.wait_indirect_dma semaphore(%arg14 : memref<!tpu.dma_semaphore, #tpu.memory_space<semaphore_mem>>) src(%dma_wait3A_103 : memref<10000x48xf32, #tpu.memory_space<hbm>>) dst(%arg12 : memref<200x48xf32, #tpu.memory_space<vmem>>)
      %dma_start3A_104 = arith.constant 0 : i32
      %dma_start3A_105 = tpu.memref_slice %arg6[%add3A_91, %dma_start3A_104] : memref<320000x144xf32, #tpu.memory_space<hbm>> -> memref<200x144xf32, #tpu.memory_space<hbm>>
      %dma_start3A_106 = arith.constant 0 : i32
      %dma_start3A_107 = tpu.memref_slice %arg6[%add3A_91, %dma_start3A_106] : memref<320000x144xf32, #tpu.memory_space<hbm>> -> memref<200x144xf32, #tpu.memory_space<hbm>>
      tpu.enqueue_dma source(%arg10 : memref<200x144xf32, #tpu.memory_space<vmem>>) target(%dma_start3A_107 : memref<200x144xf32, #tpu.memory_space<hbm>>) target_semaphore(%arg15 : memref<!tpu.dma_semaphore, #tpu.memory_space<semaphore_mem>>)
      %dma_start3A_108 = arith.constant 0 : i32
      %dma_start3A_109 = tpu.memref_slice %arg7[%add3A_91, %dma_start3A_108] : memref<320000x48xf32, #tpu.memory_space<hbm>> -> memref<200x48xf32, #tpu.memory_space<hbm>>
      %dma_start3A_110 = arith.constant 0 : i32
      %dma_start3A_111 = tpu.memref_slice %arg7[%add3A_91, %dma_start3A_110] : memref<320000x48xf32, #tpu.memory_space<hbm>> -> memref<200x48xf32, #tpu.memory_space<hbm>>
      tpu.enqueue_dma source(%arg12 : memref<200x48xf32, #tpu.memory_space<vmem>>) target(%dma_start3A_111 : memref<200x48xf32, #tpu.memory_space<hbm>>) target_semaphore(%arg15 : memref<!tpu.dma_semaphore, #tpu.memory_space<semaphore_mem>>)
      %mul3A_112 = arith.constant 10000 : i32
      %mul3A_113 = arith.muli %add3A, %mul3A_112 : i32
      %dma_wait3A_114 = arith.constant 0 : i32
      %dma_wait3A_115 = tpu.memref_slice %arg6[%mul3A_113, %dma_wait3A_114] : memref<320000x144xf32, #tpu.memory_space<hbm>> -> memref<200x144xf32, #tpu.memory_space<hbm>>
      %dma_wait3A_116 = arith.constant 0 : i32
      %dma_wait3A_117 = tpu.memref_slice %arg6[%mul3A_113, %dma_wait3A_116] : memref<320000x144xf32, #tpu.memory_space<hbm>> -> memref<200x144xf32, #tpu.memory_space<hbm>>
      tpu.wait_dma2 semaphore(%arg16 : memref<!tpu.dma_semaphore, #tpu.memory_space<semaphore_mem>>) src(%arg11 : memref<200x144xf32, #tpu.memory_space<vmem>>) dst(%dma_wait3A_117 : memref<200x144xf32, #tpu.memory_space<hbm>>)
      %dma_wait3A_118 = arith.constant 0 : i32
      %dma_wait3A_119 = tpu.memref_slice %arg7[%mul3A_113, %dma_wait3A_118] : memref<320000x48xf32, #tpu.memory_space<hbm>> -> memref<200x48xf32, #tpu.memory_space<hbm>>
      %dma_wait3A_120 = arith.constant 0 : i32
      %dma_wait3A_121 = tpu.memref_slice %arg7[%mul3A_113, %dma_wait3A_120] : memref<320000x48xf32, #tpu.memory_space<hbm>> -> memref<200x48xf32, #tpu.memory_space<hbm>>
      tpu.wait_dma2 semaphore(%arg16 : memref<!tpu.dma_semaphore, #tpu.memory_space<semaphore_mem>>) src(%arg13 : memref<200x48xf32, #tpu.memory_space<vmem>>) dst(%dma_wait3A_121 : memref<200x48xf32, #tpu.memory_space<hbm>>)
      %mul3A_122 = arith.constant 2 : i32
      %mul3A_123 = arith.muli %mul3A_122, %scan3A_72 : i32
      %add3A_124 = arith.constant 1 : i32
      %add3A_125 = arith.addi %mul3A_123, %add3A_124 : i32
      %mul3A_126 = arith.constant 10000 : i32
      %mul3A_127 = arith.muli %add3A, %mul3A_126 : i32
      %mul3A_128 = arith.constant 200 : i32
      %mul3A_129 = arith.muli %add3A_125, %mul3A_128 : i32
      %add3A_130 = arith.addi %mul3A_127, %mul3A_129 : i32
      "tpu.region"() ({
        %run_scoped3A = tpu.sem_alloc : memref<!tpu.dma_semaphore, #tpu.memory_space<semaphore_mem>>
        %dma_start3A_151 = tpu.memref_slice %arg4[%add3A_130] : memref<320000xi32, #tpu.memory_space<hbm>> -> memref<200xi32, #tpu.memory_space<hbm>>
        %dma_start3A_152 = tpu.memref_slice %arg4[%add3A_130] : memref<320000xi32, #tpu.memory_space<hbm>> -> memref<200xi32, #tpu.memory_space<hbm>>
        tpu.enqueue_dma source(%dma_start3A_152 : memref<200xi32, #tpu.memory_space<hbm>>) target(%arg8 : memref<200xi32, #tpu.memory_space<vmem>>) target_semaphore(%run_scoped3A : memref<!tpu.dma_semaphore, #tpu.memory_space<semaphore_mem>>)
        %dma_wait3A_153 = tpu.memref_slice %arg4[%add3A_130] : memref<320000xi32, #tpu.memory_space<hbm>> -> memref<200xi32, #tpu.memory_space<hbm>>
        %dma_wait3A_154 = tpu.memref_slice %arg4[%add3A_130] : memref<320000xi32, #tpu.memory_space<hbm>> -> memref<200xi32, #tpu.memory_space<hbm>>
        tpu.wait_dma2 semaphore(%run_scoped3A : memref<!tpu.dma_semaphore, #tpu.memory_space<semaphore_mem>>) src(%dma_wait3A_154 : memref<200xi32, #tpu.memory_space<hbm>>) dst(%arg8 : memref<200xi32, #tpu.memory_space<vmem>>)
        tpu.yield
      }) : () -> ()
      "tpu.region"() ({
        %run_scoped3A = tpu.sem_alloc : memref<!tpu.dma_semaphore, #tpu.memory_space<semaphore_mem>>
        %dma_start3A_151 = tpu.memref_slice %arg5[%add3A_130] : memref<320000xi32, #tpu.memory_space<hbm>> -> memref<200xi32, #tpu.memory_space<hbm>>
        %dma_start3A_152 = tpu.memref_slice %arg5[%add3A_130] : memref<320000xi32, #tpu.memory_space<hbm>> -> memref<200xi32, #tpu.memory_space<hbm>>
        tpu.enqueue_dma source(%dma_start3A_152 : memref<200xi32, #tpu.memory_space<hbm>>) target(%arg9 : memref<200xi32, #tpu.memory_space<vmem>>) target_semaphore(%run_scoped3A : memref<!tpu.dma_semaphore, #tpu.memory_space<semaphore_mem>>)
        %dma_wait3A_153 = tpu.memref_slice %arg5[%add3A_130] : memref<320000xi32, #tpu.memory_space<hbm>> -> memref<200xi32, #tpu.memory_space<hbm>>
        %dma_wait3A_154 = tpu.memref_slice %arg5[%add3A_130] : memref<320000xi32, #tpu.memory_space<hbm>> -> memref<200xi32, #tpu.memory_space<hbm>>
        tpu.wait_dma2 semaphore(%run_scoped3A : memref<!tpu.dma_semaphore, #tpu.memory_space<semaphore_mem>>) src(%dma_wait3A_154 : memref<200xi32, #tpu.memory_space<hbm>>) dst(%arg9 : memref<200xi32, #tpu.memory_space<vmem>>)
        tpu.yield
      }) : () -> ()
      %dma_start3A_131 = arith.constant 0 : i32
      %dma_start3A_132 = arith.constant 0 : i32
      %dma_start3A_133 = tpu.memref_slice %arg2[%dma_start3A_131, %dma_start3A_132] : memref<10000x144xf32, #tpu.memory_space<hbm>> -> memref<10000x144xf32, #tpu.memory_space<hbm>>
      tpu.enqueue_indirect_dma source(%dma_start3A_133 : memref<10000x144xf32, #tpu.memory_space<hbm>>) target(%arg11 : memref<200x144xf32, #tpu.memory_space<vmem>>) offsets(%arg8 : memref<200xi32, #tpu.memory_space<vmem>>) semaphore(%arg14 : memref<!tpu.dma_semaphore, #tpu.memory_space<semaphore_mem>>)
      %dma_wait3A_134 = arith.constant 0 : i32
      %dma_wait3A_135 = arith.constant 0 : i32
      %dma_wait3A_136 = tpu.memref_slice %arg2[%dma_wait3A_134, %dma_wait3A_135] : memref<10000x144xf32, #tpu.memory_space<hbm>> -> memref<10000x144xf32, #tpu.memory_space<hbm>>
      tpu.wait_indirect_dma semaphore(%arg14 : memref<!tpu.dma_semaphore, #tpu.memory_space<semaphore_mem>>) src(%dma_wait3A_136 : memref<10000x144xf32, #tpu.memory_space<hbm>>) dst(%arg11 : memref<200x144xf32, #tpu.memory_space<vmem>>)
      %dma_start3A_137 = arith.constant 0 : i32
      %dma_start3A_138 = arith.constant 0 : i32
      %dma_start3A_139 = tpu.memref_slice %arg3[%dma_start3A_137, %dma_start3A_138] : memref<10000x48xf32, #tpu.memory_space<hbm>> -> memref<10000x48xf32, #tpu.memory_space<hbm>>
      tpu.enqueue_indirect_dma source(%dma_start3A_139 : memref<10000x48xf32, #tpu.memory_space<hbm>>) target(%arg13 : memref<200x48xf32, #tpu.memory_space<vmem>>) offsets(%arg9 : memref<200xi32, #tpu.memory_space<vmem>>) semaphore(%arg14 : memref<!tpu.dma_semaphore, #tpu.memory_space<semaphore_mem>>)
      %dma_wait3A_140 = arith.constant 0 : i32
      %dma_wait3A_141 = arith.constant 0 : i32
      %dma_wait3A_142 = tpu.memref_slice %arg3[%dma_wait3A_140, %dma_wait3A_141] : memref<10000x48xf32, #tpu.memory_space<hbm>> -> memref<10000x48xf32, #tpu.memory_space<hbm>>
      tpu.wait_indirect_dma semaphore(%arg14 : memref<!tpu.dma_semaphore, #tpu.memory_space<semaphore_mem>>) src(%dma_wait3A_142 : memref<10000x48xf32, #tpu.memory_space<hbm>>) dst(%arg13 : memref<200x48xf32, #tpu.memory_space<vmem>>)
      %dma_start3A_143 = arith.constant 0 : i32
      %dma_start3A_144 = tpu.memref_slice %arg6[%add3A_130, %dma_start3A_143] : memref<320000x144xf32, #tpu.memory_space<hbm>> -> memref<200x144xf32, #tpu.memory_space<hbm>>
      %dma_start3A_145 = arith.constant 0 : i32
      %dma_start3A_146 = tpu.memref_slice %arg6[%add3A_130, %dma_start3A_145] : memref<320000x144xf32, #tpu.memory_space<hbm>> -> memref<200x144xf32, #tpu.memory_space<hbm>>
      tpu.enqueue_dma source(%arg11 : memref<200x144xf32, #tpu.memory_space<vmem>>) target(%dma_start3A_146 : memref<200x144xf32, #tpu.memory_space<hbm>>) target_semaphore(%arg16 : memref<!tpu.dma_semaphore, #tpu.memory_space<semaphore_mem>>)
      %dma_start3A_147 = arith.constant 0 : i32
      %dma_start3A_148 = tpu.memref_slice %arg7[%add3A_130, %dma_start3A_147] : memref<320000x48xf32, #tpu.memory_space<hbm>> -> memref<200x48xf32, #tpu.memory_space<hbm>>
      %dma_start3A_149 = arith.constant 0 : i32
      %dma_start3A_150 = tpu.memref_slice %arg7[%add3A_130, %dma_start3A_149] : memref<320000x48xf32, #tpu.memory_space<hbm>> -> memref<200x48xf32, #tpu.memory_space<hbm>>
      tpu.enqueue_dma source(%arg13 : memref<200x48xf32, #tpu.memory_space<vmem>>) target(%dma_start3A_150 : memref<200x48xf32, #tpu.memory_space<hbm>>) target_semaphore(%arg16 : memref<!tpu.dma_semaphore, #tpu.memory_space<semaphore_mem>>)
    }
    %scan3A_51 = arith.constant 24 : i32
    %mul3A_52 = arith.constant 10000 : i32
    %mul3A_53 = arith.muli %add3A, %mul3A_52 : i32
    %dma_wait3A_54 = arith.constant 0 : i32
    %dma_wait3A_55 = tpu.memref_slice %arg6[%mul3A_53, %dma_wait3A_54] : memref<320000x144xf32, #tpu.memory_space<hbm>> -> memref<200x144xf32, #tpu.memory_space<hbm>>
    %dma_wait3A_56 = arith.constant 0 : i32
    %dma_wait3A_57 = tpu.memref_slice %arg6[%mul3A_53, %dma_wait3A_56] : memref<320000x144xf32, #tpu.memory_space<hbm>> -> memref<200x144xf32, #tpu.memory_space<hbm>>
    tpu.wait_dma2 semaphore(%arg15 : memref<!tpu.dma_semaphore, #tpu.memory_space<semaphore_mem>>) src(%arg10 : memref<200x144xf32, #tpu.memory_space<vmem>>) dst(%dma_wait3A_57 : memref<200x144xf32, #tpu.memory_space<hbm>>)
    %dma_wait3A_58 = arith.constant 0 : i32
    %dma_wait3A_59 = tpu.memref_slice %arg7[%mul3A_53, %dma_wait3A_58] : memref<320000x48xf32, #tpu.memory_space<hbm>> -> memref<200x48xf32, #tpu.memory_space<hbm>>
    %dma_wait3A_60 = arith.constant 0 : i32
    %dma_wait3A_61 = tpu.memref_slice %arg7[%mul3A_53, %dma_wait3A_60] : memref<320000x48xf32, #tpu.memory_space<hbm>> -> memref<200x48xf32, #tpu.memory_space<hbm>>
    tpu.wait_dma2 semaphore(%arg15 : memref<!tpu.dma_semaphore, #tpu.memory_space<semaphore_mem>>) src(%arg12 : memref<200x48xf32, #tpu.memory_space<vmem>>) dst(%dma_wait3A_61 : memref<200x48xf32, #tpu.memory_space<hbm>>)
    %mul3A_62 = arith.constant 10000 : i32
    %mul3A_63 = arith.muli %add3A, %mul3A_62 : i32
    %dma_wait3A_64 = arith.constant 0 : i32
    %dma_wait3A_65 = tpu.memref_slice %arg6[%mul3A_63, %dma_wait3A_64] : memref<320000x144xf32, #tpu.memory_space<hbm>> -> memref<200x144xf32, #tpu.memory_space<hbm>>
    %dma_wait3A_66 = arith.constant 0 : i32
    %dma_wait3A_67 = tpu.memref_slice %arg6[%mul3A_63, %dma_wait3A_66] : memref<320000x144xf32, #tpu.memory_space<hbm>> -> memref<200x144xf32, #tpu.memory_space<hbm>>
    tpu.wait_dma2 semaphore(%arg16 : memref<!tpu.dma_semaphore, #tpu.memory_space<semaphore_mem>>) src(%arg11 : memref<200x144xf32, #tpu.memory_space<vmem>>) dst(%dma_wait3A_67 : memref<200x144xf32, #tpu.memory_space<hbm>>)
    %dma_wait3A_68 = arith.constant 0 : i32
    %dma_wait3A_69 = tpu.memref_slice %arg7[%mul3A_63, %dma_wait3A_68] : memref<320000x48xf32, #tpu.memory_space<hbm>> -> memref<200x48xf32, #tpu.memory_space<hbm>>
    %dma_wait3A_70 = arith.constant 0 : i32
    %dma_wait3A_71 = tpu.memref_slice %arg7[%mul3A_63, %dma_wait3A_70] : memref<320000x48xf32, #tpu.memory_space<hbm>> -> memref<200x48xf32, #tpu.memory_space<hbm>>
    tpu.wait_dma2 semaphore(%arg16 : memref<!tpu.dma_semaphore, #tpu.memory_space<semaphore_mem>>) src(%arg13 : memref<200x48xf32, #tpu.memory_space<vmem>>) dst(%dma_wait3A_71 : memref<200x48xf32, #tpu.memory_space<hbm>>)
    return
  }
}

#map = affine_map<(d0, d1) -> (0, 0)>
#map1 = affine_map<(d0, d1) -> (0)>
#map2 = affine_map<(d0, d1) -> (0, 0, 0)>
module attributes {stable_mosaic.version = 14 : i64} {
  func.func @_scatter_body(%arg0: i32, %arg1: i32, %arg2: memref<320000x128xf32, #tpu.memory_space<hbm>>, %arg3: memref<320000xf32, #tpu.memory_space<hbm>>, %arg4: memref<320000xi32, #tpu.memory_space<hbm>>, %arg5: memref<2x10000x128xf32, #tpu.memory_space<hbm>>, %arg6: memref<32x10240xf32, #tpu.memory_space<hbm>>, %arg7: memref<10000x128xf32, #tpu.memory_space<vmem_shared>>, %arg8: memref<200x128xf32, #tpu.memory_space<vmem>>, %arg9: memref<200xi32, #tpu.memory_space<vmem>>, %arg10: memref<10240xf32, #tpu.memory_space<vmem>>, %arg11: memref<2000xf32, #tpu.memory_space<vmem>>, %arg12: memref<2000xi32, #tpu.memory_space<vmem>>) attributes {dimension_semantics = [#tpu.dimension_semantics<core_parallel>, #tpu.dimension_semantics<subcore_parallel>], iteration_bounds = array<i64: 2, 16>, scalar_prefetch = 0 : i64, scratch_operands = 6 : i64, tpu.core_type = #tpu.core_type<sc_vector_subcore>, window_params = [{transform_indices = #map}, {transform_indices = #map1}, {transform_indices = #map1}, {transform_indices = #map2}, {transform_indices = #map}]} {
    %mul3A = arith.constant 2 : i32
    %mul3A_0 = arith.muli %arg1, %mul3A : i32
    %add3A = arith.addi %mul3A_0, %arg0 : i32
    %scan3A = arith.constant 0 : i32
    %scan3A_1 = arith.constant 0 : i32
    %scan3A_2 = arith.constant 640 : i32
    %scan3A_3 = arith.addi %scan3A_1, %scan3A_2 : i32
    %scan3A_4 = arith.constant 1 : i32
    scf.for %scan3A_35 = %scan3A_1 to %scan3A_3 step %scan3A_4  : i32 {
      %broadcast_in_dim3A = arith.constant 0.000000e+00 : f32
      %broadcast_in_dim3A_36 = vector.broadcast %broadcast_in_dim3A : f32 to vector<16xf32>
      %mul3A_37 = arith.constant 16 : i32
      %mul3A_38 = arith.muli %scan3A_35, %mul3A_37 : i32
      %swap3A = arith.index_cast %mul3A_38 : i32 to index
      %swap3A_39 = tpu.vector_load %arg10[%swap3A] {strides = array<i32>} : memref<10240xf32, #tpu.memory_space<vmem>>, vector<16xf32>,
      tpu.vector_store %arg10[%swap3A], %broadcast_in_dim3A_36 {strides = array<i32>} : memref<10240xf32, #tpu.memory_space<vmem>>, vector<16xf32>,
    }
    %scan3A_5 = arith.constant 640 : i32
    %scan3A_6 = arith.constant 0 : i32
    %scan3A_7 = arith.constant 0 : i32
    %scan3A_8 = arith.constant 25 : i32
    %scan3A_9 = arith.addi %scan3A_7, %scan3A_8 : i32
    %scan3A_10 = arith.constant 1 : i32
    scf.for %scan3A_35 = %scan3A_7 to %scan3A_9 step %scan3A_10  : i32 {
      %broadcast_in_dim3A = arith.constant 0.000000e+00 : f32
      %broadcast_in_dim3A_36 = vector.broadcast %broadcast_in_dim3A : f32 to vector<16xf32>
      %swap3A = arith.index_cast %scan3A_35 : i32 to index
      %swap3A_37 = arith.constant 0 : index
      %swap3A_38 = tpu.vector_load %arg8[%swap3A, %swap3A_37] {strides = array<i32>} : memref<200x128xf32, #tpu.memory_space<vmem>>, vector<16xf32>,
      tpu.vector_store %arg8[%swap3A, %swap3A_37], %broadcast_in_dim3A_36 {strides = array<i32>} : memref<200x128xf32, #tpu.memory_space<vmem>>, vector<16xf32>,
      %broadcast_in_dim3A_39 = arith.constant 0.000000e+00 : f32
      %broadcast_in_dim3A_40 = vector.broadcast %broadcast_in_dim3A_39 : f32 to vector<16xf32>
      %swap3A_41 = arith.index_cast %scan3A_35 : i32 to index
      %swap3A_42 = arith.constant 16 : index
      %swap3A_43 = tpu.vector_load %arg8[%swap3A_41, %swap3A_42] {strides = array<i32>} : memref<200x128xf32, #tpu.memory_space<vmem>>, vector<16xf32>,
      tpu.vector_store %arg8[%swap3A_41, %swap3A_42], %broadcast_in_dim3A_40 {strides = array<i32>} : memref<200x128xf32, #tpu.memory_space<vmem>>, vector<16xf32>,
      %broadcast_in_dim3A_44 = arith.constant 0.000000e+00 : f32
      %broadcast_in_dim3A_45 = vector.broadcast %broadcast_in_dim3A_44 : f32 to vector<16xf32>
      %swap3A_46 = arith.index_cast %scan3A_35 : i32 to index
      %swap3A_47 = arith.constant 32 : index
      %swap3A_48 = tpu.vector_load %arg8[%swap3A_46, %swap3A_47] {strides = array<i32>} : memref<200x128xf32, #tpu.memory_space<vmem>>, vector<16xf32>,
      tpu.vector_store %arg8[%swap3A_46, %swap3A_47], %broadcast_in_dim3A_45 {strides = array<i32>} : memref<200x128xf32, #tpu.memory_space<vmem>>, vector<16xf32>,
      %broadcast_in_dim3A_49 = arith.constant 0.000000e+00 : f32
      %broadcast_in_dim3A_50 = vector.broadcast %broadcast_in_dim3A_49 : f32 to vector<16xf32>
      %swap3A_51 = arith.index_cast %scan3A_35 : i32 to index
      %swap3A_52 = arith.constant 48 : index
      %swap3A_53 = tpu.vector_load %arg8[%swap3A_51, %swap3A_52] {strides = array<i32>} : memref<200x128xf32, #tpu.memory_space<vmem>>, vector<16xf32>,
      tpu.vector_store %arg8[%swap3A_51, %swap3A_52], %broadcast_in_dim3A_50 {strides = array<i32>} : memref<200x128xf32, #tpu.memory_space<vmem>>, vector<16xf32>,
      %broadcast_in_dim3A_54 = arith.constant 0.000000e+00 : f32
      %broadcast_in_dim3A_55 = vector.broadcast %broadcast_in_dim3A_54 : f32 to vector<16xf32>
      %swap3A_56 = arith.index_cast %scan3A_35 : i32 to index
      %swap3A_57 = arith.constant 64 : index
      %swap3A_58 = tpu.vector_load %arg8[%swap3A_56, %swap3A_57] {strides = array<i32>} : memref<200x128xf32, #tpu.memory_space<vmem>>, vector<16xf32>,
      tpu.vector_store %arg8[%swap3A_56, %swap3A_57], %broadcast_in_dim3A_55 {strides = array<i32>} : memref<200x128xf32, #tpu.memory_space<vmem>>, vector<16xf32>,
      %broadcast_in_dim3A_59 = arith.constant 0.000000e+00 : f32
      %broadcast_in_dim3A_60 = vector.broadcast %broadcast_in_dim3A_59 : f32 to vector<16xf32>
      %swap3A_61 = arith.index_cast %scan3A_35 : i32 to index
      %swap3A_62 = arith.constant 80 : index
      %swap3A_63 = tpu.vector_load %arg8[%swap3A_61, %swap3A_62] {strides = array<i32>} : memref<200x128xf32, #tpu.memory_space<vmem>>, vector<16xf32>,
      tpu.vector_store %arg8[%swap3A_61, %swap3A_62], %broadcast_in_dim3A_60 {strides = array<i32>} : memref<200x128xf32, #tpu.memory_space<vmem>>, vector<16xf32>,
      %broadcast_in_dim3A_64 = arith.constant 0.000000e+00 : f32
      %broadcast_in_dim3A_65 = vector.broadcast %broadcast_in_dim3A_64 : f32 to vector<16xf32>
      %swap3A_66 = arith.index_cast %scan3A_35 : i32 to index
      %swap3A_67 = arith.constant 96 : index
      %swap3A_68 = tpu.vector_load %arg8[%swap3A_66, %swap3A_67] {strides = array<i32>} : memref<200x128xf32, #tpu.memory_space<vmem>>, vector<16xf32>,
      tpu.vector_store %arg8[%swap3A_66, %swap3A_67], %broadcast_in_dim3A_65 {strides = array<i32>} : memref<200x128xf32, #tpu.memory_space<vmem>>, vector<16xf32>,
      %broadcast_in_dim3A_69 = arith.constant 0.000000e+00 : f32
      %broadcast_in_dim3A_70 = vector.broadcast %broadcast_in_dim3A_69 : f32 to vector<16xf32>
      %swap3A_71 = arith.index_cast %scan3A_35 : i32 to index
      %swap3A_72 = arith.constant 112 : index
      %swap3A_73 = tpu.vector_load %arg8[%swap3A_71, %swap3A_72] {strides = array<i32>} : memref<200x128xf32, #tpu.memory_space<vmem>>, vector<16xf32>,
      tpu.vector_store %arg8[%swap3A_71, %swap3A_72], %broadcast_in_dim3A_70 {strides = array<i32>} : memref<200x128xf32, #tpu.memory_space<vmem>>, vector<16xf32>,
    }
    %scan3A_11 = arith.constant 25 : i32
    %scan3A_12 = arith.constant 0 : i32
    %scan3A_13 = arith.constant 0 : i32
    %scan3A_14 = arith.constant 25 : i32
    %scan3A_15 = arith.addi %scan3A_13, %scan3A_14 : i32
    %scan3A_16 = arith.constant 1 : i32
    scf.for %scan3A_35 = %scan3A_13 to %scan3A_15 step %scan3A_16  : i32 {
      %mul3A_36 = arith.constant 625 : i32
      %mul3A_37 = arith.muli %arg1, %mul3A_36 : i32
      %mul3A_38 = arith.constant 25 : i32
      %mul3A_39 = arith.muli %scan3A_35, %mul3A_38 : i32
      %add3A_40 = arith.addi %mul3A_37, %mul3A_39 : i32
      "tpu.region"() ({
        %run_scoped3A = tpu.sem_alloc : memref<!tpu.dma_semaphore, #tpu.memory_space<semaphore_mem>>
        %dma_start3A = arith.constant 0 : i32
        %dma_start3A_41 = arith.constant 0 : i32
        %dma_start3A_42 = tpu.memref_slice %arg8[%dma_start3A, %dma_start3A_41] : memref<200x128xf32, #tpu.memory_space<vmem>> -> memref<25x128xf32, #tpu.memory_space<vmem>>
        %dma_start3A_43 = arith.constant 0 : i32
        %dma_start3A_44 = tpu.memref_slice %arg7[%add3A_40, %dma_start3A_43] : memref<10000x128xf32, #tpu.memory_space<vmem_shared>> -> memref<25x128xf32, #tpu.memory_space<vmem_shared>>
        %dma_start3A_45 = arith.constant 0 : i32
        %dma_start3A_46 = tpu.memref_slice %arg7[%add3A_40, %dma_start3A_45] : memref<10000x128xf32, #tpu.memory_space<vmem_shared>> -> memref<25x128xf32, #tpu.memory_space<vmem_shared>>
        %dma_start3A_47 = arith.constant 0 : i32
        %dma_start3A_48 = arith.constant 0 : i32
        %dma_start3A_49 = tpu.memref_slice %arg8[%dma_start3A_47, %dma_start3A_48] : memref<200x128xf32, #tpu.memory_space<vmem>> -> memref<25x128xf32, #tpu.memory_space<vmem>>
        tpu.enqueue_dma source(%dma_start3A_49 : memref<25x128xf32, #tpu.memory_space<vmem>>) target(%dma_start3A_46 : memref<25x128xf32, #tpu.memory_space<vmem_shared>>) target_semaphore(%run_scoped3A : memref<!tpu.dma_semaphore, #tpu.memory_space<semaphore_mem>>)
        %dma_wait3A = arith.constant 0 : i32
        %dma_wait3A_50 = arith.constant 0 : i32
        %dma_wait3A_51 = tpu.memref_slice %arg8[%dma_wait3A, %dma_wait3A_50] : memref<200x128xf32, #tpu.memory_space<vmem>> -> memref<25x128xf32, #tpu.memory_space<vmem>>
        %dma_wait3A_52 = arith.constant 0 : i32
        %dma_wait3A_53 = tpu.memref_slice %arg7[%add3A_40, %dma_wait3A_52] : memref<10000x128xf32, #tpu.memory_space<vmem_shared>> -> memref<25x128xf32, #tpu.memory_space<vmem_shared>>
        %dma_wait3A_54 = arith.constant 0 : i32
        %dma_wait3A_55 = tpu.memref_slice %arg7[%add3A_40, %dma_wait3A_54] : memref<10000x128xf32, #tpu.memory_space<vmem_shared>> -> memref<25x128xf32, #tpu.memory_space<vmem_shared>>
        %dma_wait3A_56 = arith.constant 0 : i32
        %dma_wait3A_57 = arith.constant 0 : i32
        %dma_wait3A_58 = tpu.memref_slice %arg8[%dma_wait3A_56, %dma_wait3A_57] : memref<200x128xf32, #tpu.memory_space<vmem>> -> memref<25x128xf32, #tpu.memory_space<vmem>>
        tpu.wait_dma2 semaphore(%run_scoped3A : memref<!tpu.dma_semaphore, #tpu.memory_space<semaphore_mem>>) src(%dma_wait3A_58 : memref<25x128xf32, #tpu.memory_space<vmem>>) dst(%dma_wait3A_55 : memref<25x128xf32, #tpu.memory_space<vmem_shared>>)
        tpu.yield
      }) : () -> ()
    }
    %scan3A_17 = arith.constant 25 : i32
    %barrier3A = arith.constant 0 : index
    tpu.barrier barrier_id(%barrier3A)
    %scan3A_18 = arith.constant 0 : i32
    %scan3A_19 = arith.constant 0 : i32
    %scan3A_20 = arith.constant 5 : i32
    %scan3A_21 = arith.addi %scan3A_19, %scan3A_20 : i32
    %scan3A_22 = arith.constant 1 : i32
    scf.for %scan3A_35 = %scan3A_19 to %scan3A_21 step %scan3A_22  : i32 {
      %mul3A_36 = arith.constant 10000 : i32
      %mul3A_37 = arith.muli %add3A, %mul3A_36 : i32
      %mul3A_38 = arith.constant 2000 : i32
      %mul3A_39 = arith.muli %scan3A_35, %mul3A_38 : i32
      %add3A_40 = arith.addi %mul3A_37, %mul3A_39 : i32
      "tpu.region"() ({
        %run_scoped3A = tpu.sem_alloc : memref<!tpu.dma_semaphore, #tpu.memory_space<semaphore_mem>>
        %dma_start3A = tpu.memref_slice %arg3[%add3A_40] : memref<320000xf32, #tpu.memory_space<hbm>> -> memref<2000xf32, #tpu.memory_space<hbm>>
        %dma_start3A_47 = tpu.memref_slice %arg3[%add3A_40] : memref<320000xf32, #tpu.memory_space<hbm>> -> memref<2000xf32, #tpu.memory_space<hbm>>
        tpu.enqueue_dma source(%dma_start3A_47 : memref<2000xf32, #tpu.memory_space<hbm>>) target(%arg11 : memref<2000xf32, #tpu.memory_space<vmem>>) target_semaphore(%run_scoped3A : memref<!tpu.dma_semaphore, #tpu.memory_space<semaphore_mem>>)
        %dma_wait3A = tpu.memref_slice %arg3[%add3A_40] : memref<320000xf32, #tpu.memory_space<hbm>> -> memref<2000xf32, #tpu.memory_space<hbm>>
        %dma_wait3A_48 = tpu.memref_slice %arg3[%add3A_40] : memref<320000xf32, #tpu.memory_space<hbm>> -> memref<2000xf32, #tpu.memory_space<hbm>>
        tpu.wait_dma2 semaphore(%run_scoped3A : memref<!tpu.dma_semaphore, #tpu.memory_space<semaphore_mem>>) src(%dma_wait3A_48 : memref<2000xf32, #tpu.memory_space<hbm>>) dst(%arg11 : memref<2000xf32, #tpu.memory_space<vmem>>)
        tpu.yield
      }) : () -> ()
      "tpu.region"() ({
        %run_scoped3A = tpu.sem_alloc : memref<!tpu.dma_semaphore, #tpu.memory_space<semaphore_mem>>
        %dma_start3A = tpu.memref_slice %arg4[%add3A_40] : memref<320000xi32, #tpu.memory_space<hbm>> -> memref<2000xi32, #tpu.memory_space<hbm>>
        %dma_start3A_47 = tpu.memref_slice %arg4[%add3A_40] : memref<320000xi32, #tpu.memory_space<hbm>> -> memref<2000xi32, #tpu.memory_space<hbm>>
        tpu.enqueue_dma source(%dma_start3A_47 : memref<2000xi32, #tpu.memory_space<hbm>>) target(%arg12 : memref<2000xi32, #tpu.memory_space<vmem>>) target_semaphore(%run_scoped3A : memref<!tpu.dma_semaphore, #tpu.memory_space<semaphore_mem>>)
        %dma_wait3A = tpu.memref_slice %arg4[%add3A_40] : memref<320000xi32, #tpu.memory_space<hbm>> -> memref<2000xi32, #tpu.memory_space<hbm>>
        %dma_wait3A_48 = tpu.memref_slice %arg4[%add3A_40] : memref<320000xi32, #tpu.memory_space<hbm>> -> memref<2000xi32, #tpu.memory_space<hbm>>
        tpu.wait_dma2 semaphore(%run_scoped3A : memref<!tpu.dma_semaphore, #tpu.memory_space<semaphore_mem>>) src(%dma_wait3A_48 : memref<2000xi32, #tpu.memory_space<hbm>>) dst(%arg12 : memref<2000xi32, #tpu.memory_space<vmem>>)
        tpu.yield
      }) : () -> ()
      %scan3A_41 = arith.constant 0 : i32
      %scan3A_42 = arith.constant 0 : i32
      %scan3A_43 = arith.constant 125 : i32
      %scan3A_44 = arith.addi %scan3A_42, %scan3A_43 : i32
      %scan3A_45 = arith.constant 1 : i32
      scf.for %scan3A_47 = %scan3A_42 to %scan3A_44 step %scan3A_45  : i32 {
        %mul3A_48 = arith.constant 16 : i32
        %mul3A_49 = arith.muli %scan3A_47, %mul3A_48 : i32
        %get3A = arith.index_cast %mul3A_49 : i32 to index
        %get3A_50 = tpu.vector_load %arg11[%get3A] {strides = array<i32>} : memref<2000xf32, #tpu.memory_space<vmem>>, vector<16xf32>,
        %get3A_51 = arith.index_cast %mul3A_49 : i32 to index
        %get3A_52 = tpu.vector_load %arg12[%get3A_51] {strides = array<i32>} : memref<2000xi32, #tpu.memory_space<vmem>>, vector<16xi32>,
        %mul3A_53 = arith.mulf %get3A_50, %get3A_50 : vector<16xf32>
        tpu.vector_store_idx %arg10[%get3A_52], %mul3A_53 {add = true} : memref<10240xf32, #tpu.memory_space<vmem>>[vector<16xi32>], vector<16xf32>,
      }
      %scan3A_46 = arith.constant 125 : i32
    }
    %scan3A_23 = arith.constant 5 : i32
    %scan3A_24 = arith.constant 0 : i32
    %scan3A_25 = arith.constant 0 : i32
    %scan3A_26 = arith.constant 50 : i32
    %scan3A_27 = arith.addi %scan3A_25, %scan3A_26 : i32
    %scan3A_28 = arith.constant 1 : i32
    scf.for %scan3A_35 = %scan3A_25 to %scan3A_27 step %scan3A_28  : i32 {
      %mul3A_36 = arith.constant 10000 : i32
      %mul3A_37 = arith.muli %add3A, %mul3A_36 : i32
      %mul3A_38 = arith.constant 200 : i32
      %mul3A_39 = arith.muli %scan3A_35, %mul3A_38 : i32
      %add3A_40 = arith.addi %mul3A_37, %mul3A_39 : i32
      "tpu.region"() ({
        %run_scoped3A = tpu.sem_alloc : memref<!tpu.dma_semaphore, #tpu.memory_space<semaphore_mem>>
        %dma_start3A = arith.constant 0 : i32
        %dma_start3A_41 = tpu.memref_slice %arg2[%add3A_40, %dma_start3A] : memref<320000x128xf32, #tpu.memory_space<hbm>> -> memref<200x128xf32, #tpu.memory_space<hbm>>
        %dma_start3A_42 = arith.constant 0 : i32
        %dma_start3A_43 = tpu.memref_slice %arg2[%add3A_40, %dma_start3A_42] : memref<320000x128xf32, #tpu.memory_space<hbm>> -> memref<200x128xf32, #tpu.memory_space<hbm>>
        tpu.enqueue_dma source(%dma_start3A_43 : memref<200x128xf32, #tpu.memory_space<hbm>>) target(%arg8 : memref<200x128xf32, #tpu.memory_space<vmem>>) target_semaphore(%run_scoped3A : memref<!tpu.dma_semaphore, #tpu.memory_space<semaphore_mem>>)
        %dma_wait3A = arith.constant 0 : i32
        %dma_wait3A_44 = tpu.memref_slice %arg2[%add3A_40, %dma_wait3A] : memref<320000x128xf32, #tpu.memory_space<hbm>> -> memref<200x128xf32, #tpu.memory_space<hbm>>
        %dma_wait3A_45 = arith.constant 0 : i32
        %dma_wait3A_46 = tpu.memref_slice %arg2[%add3A_40, %dma_wait3A_45] : memref<320000x128xf32, #tpu.memory_space<hbm>> -> memref<200x128xf32, #tpu.memory_space<hbm>>
        tpu.wait_dma2 semaphore(%run_scoped3A : memref<!tpu.dma_semaphore, #tpu.memory_space<semaphore_mem>>) src(%dma_wait3A_46 : memref<200x128xf32, #tpu.memory_space<hbm>>) dst(%arg8 : memref<200x128xf32, #tpu.memory_space<vmem>>)
        tpu.yield
      }) : () -> ()
      "tpu.region"() ({
        %run_scoped3A = tpu.sem_alloc : memref<!tpu.dma_semaphore, #tpu.memory_space<semaphore_mem>>
        %dma_start3A = tpu.memref_slice %arg4[%add3A_40] : memref<320000xi32, #tpu.memory_space<hbm>> -> memref<200xi32, #tpu.memory_space<hbm>>
        %dma_start3A_41 = tpu.memref_slice %arg4[%add3A_40] : memref<320000xi32, #tpu.memory_space<hbm>> -> memref<200xi32, #tpu.memory_space<hbm>>
        tpu.enqueue_dma source(%dma_start3A_41 : memref<200xi32, #tpu.memory_space<hbm>>) target(%arg9 : memref<200xi32, #tpu.memory_space<vmem>>) target_semaphore(%run_scoped3A : memref<!tpu.dma_semaphore, #tpu.memory_space<semaphore_mem>>)
        %dma_wait3A = tpu.memref_slice %arg4[%add3A_40] : memref<320000xi32, #tpu.memory_space<hbm>> -> memref<200xi32, #tpu.memory_space<hbm>>
        %dma_wait3A_42 = tpu.memref_slice %arg4[%add3A_40] : memref<320000xi32, #tpu.memory_space<hbm>> -> memref<200xi32, #tpu.memory_space<hbm>>
        tpu.wait_dma2 semaphore(%run_scoped3A : memref<!tpu.dma_semaphore, #tpu.memory_space<semaphore_mem>>) src(%dma_wait3A_42 : memref<200xi32, #tpu.memory_space<hbm>>) dst(%arg9 : memref<200xi32, #tpu.memory_space<vmem>>)
        tpu.yield
      }) : () -> ()
      "tpu.region"() ({
        %run_scoped3A = tpu.sem_alloc : memref<!tpu.dma_semaphore, #tpu.memory_space<semaphore_mem>>
        %dma_start3A = arith.constant 0 : i32
        %dma_start3A_41 = arith.constant 0 : i32
        %dma_start3A_42 = tpu.memref_slice %arg7[%dma_start3A, %dma_start3A_41] : memref<10000x128xf32, #tpu.memory_space<vmem_shared>> -> memref<10000x128xf32, #tpu.memory_space<vmem_shared>>
        tpu.enqueue_indirect_dma source(%arg8 : memref<200x128xf32, #tpu.memory_space<vmem>>) target(%dma_start3A_42 : memref<10000x128xf32, #tpu.memory_space<vmem_shared>>) offsets(%arg9 : memref<200xi32, #tpu.memory_space<vmem>>) semaphore(%run_scoped3A : memref<!tpu.dma_semaphore, #tpu.memory_space<semaphore_mem>>) {add = true}
        %dma_wait3A = arith.constant 0 : i32
        %dma_wait3A_43 = arith.constant 0 : i32
        %dma_wait3A_44 = tpu.memref_slice %arg7[%dma_wait3A, %dma_wait3A_43] : memref<10000x128xf32, #tpu.memory_space<vmem_shared>> -> memref<10000x128xf32, #tpu.memory_space<vmem_shared>>
        tpu.wait_indirect_dma semaphore(%run_scoped3A : memref<!tpu.dma_semaphore, #tpu.memory_space<semaphore_mem>>) src(%arg8 : memref<200x128xf32, #tpu.memory_space<vmem>>) dst(%dma_wait3A_44 : memref<10000x128xf32, #tpu.memory_space<vmem_shared>>)
        tpu.yield
      }) : () -> ()
    }
    %scan3A_29 = arith.constant 50 : i32
    %barrier3A_30 = arith.constant 0 : index
    tpu.barrier barrier_id(%barrier3A_30)
    %mul3A_31 = arith.constant 625 : i32
    %mul3A_32 = arith.muli %arg1, %mul3A_31 : i32
    %mul3A_33 = arith.constant 625 : i32
    %mul3A_34 = arith.muli %arg1, %mul3A_33 : i32
    "tpu.region"() ({
      %run_scoped3A = tpu.sem_alloc : memref<!tpu.dma_semaphore, #tpu.memory_space<semaphore_mem>>
      %dma_start3A = arith.constant 0 : i32
      %dma_start3A_35 = tpu.memref_slice %arg5[%arg0, %mul3A_34, %dma_start3A] : memref<2x10000x128xf32, #tpu.memory_space<hbm>> -> memref<1x625x128xf32, #tpu.memory_space<hbm>>
      %dma_start3A_36 = tpu.memref_squeeze %dma_start3A_35 : memref<1x625x128xf32, #tpu.memory_space<hbm>> -> memref<625x128xf32, #tpu.memory_space<hbm>>
      %dma_start3A_37 = arith.constant 0 : i32
      %dma_start3A_38 = tpu.memref_slice %arg7[%mul3A_32, %dma_start3A_37] : memref<10000x128xf32, #tpu.memory_space<vmem_shared>> -> memref<625x128xf32, #tpu.memory_space<vmem_shared>>
      tpu.enqueue_dma source(%dma_start3A_38 : memref<625x128xf32, #tpu.memory_space<vmem_shared>>) target(%dma_start3A_36 : memref<625x128xf32, #tpu.memory_space<hbm>>) target_semaphore(%run_scoped3A : memref<!tpu.dma_semaphore, #tpu.memory_space<semaphore_mem>>)
      %dma_wait3A = arith.constant 0 : i32
      %dma_wait3A_39 = tpu.memref_slice %arg5[%arg0, %mul3A_34, %dma_wait3A] : memref<2x10000x128xf32, #tpu.memory_space<hbm>> -> memref<1x625x128xf32, #tpu.memory_space<hbm>>
      %dma_wait3A_40 = tpu.memref_squeeze %dma_wait3A_39 : memref<1x625x128xf32, #tpu.memory_space<hbm>> -> memref<625x128xf32, #tpu.memory_space<hbm>>
      %dma_wait3A_41 = arith.constant 0 : i32
      %dma_wait3A_42 = tpu.memref_slice %arg7[%mul3A_32, %dma_wait3A_41] : memref<10000x128xf32, #tpu.memory_space<vmem_shared>> -> memref<625x128xf32, #tpu.memory_space<vmem_shared>>
      tpu.wait_dma2 semaphore(%run_scoped3A : memref<!tpu.dma_semaphore, #tpu.memory_space<semaphore_mem>>) src(%dma_wait3A_42 : memref<625x128xf32, #tpu.memory_space<vmem_shared>>) dst(%dma_wait3A_40 : memref<625x128xf32, #tpu.memory_space<hbm>>)
      tpu.yield
    }) : () -> ()
    "tpu.region"() ({
      %run_scoped3A = tpu.sem_alloc : memref<!tpu.dma_semaphore, #tpu.memory_space<semaphore_mem>>
      %dma_start3A = arith.constant 0 : i32
      %dma_start3A_35 = tpu.memref_slice %arg6[%add3A, %dma_start3A] : memref<32x10240xf32, #tpu.memory_space<hbm>> -> memref<1x10240xf32, #tpu.memory_space<hbm>>
      %dma_start3A_36 = tpu.memref_squeeze %dma_start3A_35 : memref<1x10240xf32, #tpu.memory_space<hbm>> -> memref<10240xf32, #tpu.memory_space<hbm>>
      %dma_start3A_37 = arith.constant 0 : i32
      %dma_start3A_38 = tpu.memref_slice %arg6[%add3A, %dma_start3A_37] : memref<32x10240xf32, #tpu.memory_space<hbm>> -> memref<1x10240xf32, #tpu.memory_space<hbm>>
      %dma_start3A_39 = tpu.memref_squeeze %dma_start3A_38 : memref<1x10240xf32, #tpu.memory_space<hbm>> -> memref<10240xf32, #tpu.memory_space<hbm>>
      tpu.enqueue_dma source(%arg10 : memref<10240xf32, #tpu.memory_space<vmem>>) target(%dma_start3A_39 : memref<10240xf32, #tpu.memory_space<hbm>>) target_semaphore(%run_scoped3A : memref<!tpu.dma_semaphore, #tpu.memory_space<semaphore_mem>>)
      %dma_wait3A = arith.constant 0 : i32
      %dma_wait3A_40 = tpu.memref_slice %arg6[%add3A, %dma_wait3A] : memref<32x10240xf32, #tpu.memory_space<hbm>> -> memref<1x10240xf32, #tpu.memory_space<hbm>>
      %dma_wait3A_41 = tpu.memref_squeeze %dma_wait3A_40 : memref<1x10240xf32, #tpu.memory_space<hbm>> -> memref<10240xf32, #tpu.memory_space<hbm>>
      %dma_wait3A_42 = arith.constant 0 : i32
      %dma_wait3A_43 = tpu.memref_slice %arg6[%add3A, %dma_wait3A_42] : memref<32x10240xf32, #tpu.memory_space<hbm>> -> memref<1x10240xf32, #tpu.memory_space<hbm>>
      %dma_wait3A_44 = tpu.memref_squeeze %dma_wait3A_43 : memref<1x10240xf32, #tpu.memory_space<hbm>> -> memref<10240xf32, #tpu.memory_space<hbm>>
      tpu.wait_dma2 semaphore(%run_scoped3A : memref<!tpu.dma_semaphore, #tpu.memory_space<semaphore_mem>>) src(%arg10 : memref<10240xf32, #tpu.memory_space<vmem>>) dst(%dma_wait3A_44 : memref<10240xf32, #tpu.memory_space<hbm>>)
      tpu.yield
    }) : () -> ()
    return
  }
}

module attributes {stable_mosaic.version = 14 : i64} {
  func.func @_proj_body(%arg0: memref<10000x128xf32, #tpu.memory_space<vmem>>, %arg1: memref<10000x16xf32, #tpu.memory_space<vmem>>, %arg2: memref<128x32xf32, #tpu.memory_space<vmem>>, %arg3: memref<10000x144xf32, #tpu.memory_space<vmem>>, %arg4: memref<10000x48xf32, #tpu.memory_space<vmem>>) attributes {dimension_semantics = [], scalar_prefetch = 0 : i64, scratch_operands = 0 : i64, tpu.core_type = #tpu.core_type<tc>} {
    %get3A = arith.constant 0 : index
    %get3A_0 = arith.constant 0 : index
    %get3A_1 = vector.load %arg0[%get3A, %get3A_0] : memref<10000x128xf32, #tpu.memory_space<vmem>>, vector<10000x128xf32>
    %swap3A = arith.constant 0 : index
    %swap3A_2 = arith.constant 0 : index
    %swap3A_3 = vector.load %arg3[%swap3A, %swap3A_2] : memref<10000x144xf32, #tpu.memory_space<vmem>>, vector<10000x128xf32>
    tpu.vector_store %arg3[%swap3A, %swap3A_2], %get3A_1 {strides = array<i32>} : memref<10000x144xf32, #tpu.memory_space<vmem>>, vector<10000x128xf32>,
    %get3A_4 = arith.constant 0 : index
    %get3A_5 = arith.constant 0 : index
    %get3A_6 = vector.load %arg1[%get3A_4, %get3A_5] : memref<10000x16xf32, #tpu.memory_space<vmem>>, vector<10000x16xf32>
    %swap3A_7 = arith.constant 0 : index
    %swap3A_8 = arith.constant 128 : index
    %swap3A_9 = vector.load %arg3[%swap3A_7, %swap3A_8] : memref<10000x144xf32, #tpu.memory_space<vmem>>, vector<10000x16xf32>
    tpu.vector_store %arg3[%swap3A_7, %swap3A_8], %get3A_6 {strides = array<i32>} : memref<10000x144xf32, #tpu.memory_space<vmem>>, vector<10000x16xf32>,
    %get3A_10 = arith.constant 0 : index
    %get3A_11 = arith.constant 0 : index
    %get3A_12 = vector.load %arg0[%get3A_10, %get3A_11] : memref<10000x128xf32, #tpu.memory_space<vmem>>, vector<10000x128xf32>
    %get3A_13 = arith.constant 0 : index
    %get3A_14 = arith.constant 0 : index
    %get3A_15 = vector.load %arg2[%get3A_13, %get3A_14] : memref<128x32xf32, #tpu.memory_space<vmem>>, vector<128x32xf32>
    %dot_general3A = arith.constant dense<0.000000e+00> : vector<10000x32xf32>
    %dot_general3A_16 = tpu.matmul %get3A_12, %get3A_15, %dot_general3A {dimension_numbers = #tpu.dot_dimension_numbers<[1], [0], [0], [1], [0, 0, 1, 1], [], []>, transpose_lhs_hint = false} : vector<10000x128xf32>, vector<128x32xf32>, vector<10000x32xf32> -> vector<10000x32xf32>
    %swap3A_17 = arith.constant 0 : index
    %swap3A_18 = arith.constant 0 : index
    %swap3A_19 = vector.load %arg4[%swap3A_17, %swap3A_18] : memref<10000x48xf32, #tpu.memory_space<vmem>>, vector<10000x32xf32>
    tpu.vector_store %arg4[%swap3A_17, %swap3A_18], %dot_general3A_16 {strides = array<i32>} : memref<10000x48xf32, #tpu.memory_space<vmem>>, vector<10000x32xf32>,
    %get3A_20 = arith.constant 0 : index
    %get3A_21 = arith.constant 0 : index
    %get3A_22 = vector.load %arg1[%get3A_20, %get3A_21] : memref<10000x16xf32, #tpu.memory_space<vmem>>, vector<10000x16xf32>
    %swap3A_23 = arith.constant 0 : index
    %swap3A_24 = arith.constant 32 : index
    %swap3A_25 = vector.load %arg4[%swap3A_23, %swap3A_24] : memref<10000x48xf32, #tpu.memory_space<vmem>>, vector<10000x16xf32>
    tpu.vector_store %arg4[%swap3A_23, %swap3A_24], %get3A_22 {strides = array<i32>} : memref<10000x48xf32, #tpu.memory_space<vmem>>, vector<10000x16xf32>,
    return
  }
}

module attributes {stable_mosaic.version = 14 : i64} {
  func.func @_edge_body(%arg0: i32, %arg1: memref<2560x144xf32, #tpu.memory_space<vmem>>, %arg2: memref<2560x48xf32, #tpu.memory_space<vmem>>, %arg3: memref<16x10xf32, #tpu.memory_space<vmem>>, %arg4: memref<16x10xf32, #tpu.memory_space<vmem>>, %arg5: memref<32x128xf32, #tpu.memory_space<vmem>>, %arg6: memref<128x16xf32, #tpu.memory_space<vmem>>, %arg7: memref<16x128xf32, #tpu.memory_space<vmem>>, %arg8: memref<128x128xf32, #tpu.memory_space<vmem>>, %arg9: memref<1x2560xf32, #tpu.memory_space<vmem>>, %arg10: memref<2560x128xf32, #tpu.memory_space<vmem>>) attributes {dimension_semantics = [#tpu.dimension_semantics<arbitrary>], iteration_bounds = array<i64: 125>, scalar_prefetch = 0 : i64, scratch_operands = 0 : i64, tpu.core_type = #tpu.core_type<tc>, window_params = [{transform_indices = @transform_0, window_bounds = array<i64: 2560, 144>}, {transform_indices = @transform_1, window_bounds = array<i64: 2560, 48>}, {pipeline_mode = #tpu.pipeline_mode<synchronous>, transform_indices = @transform_2, window_bounds = array<i64: 16, 10>}, {pipeline_mode = #tpu.pipeline_mode<synchronous>, transform_indices = @transform_3, window_bounds = array<i64: 16, 10>}, {pipeline_mode = #tpu.pipeline_mode<synchronous>, transform_indices = @transform_4, window_bounds = array<i64: 32, 128>}, {pipeline_mode = #tpu.pipeline_mode<synchronous>, transform_indices = @transform_5, window_bounds = array<i64: 128, 16>}, {pipeline_mode = #tpu.pipeline_mode<synchronous>, transform_indices = @transform_6, window_bounds = array<i64: 16, 128>}, {pipeline_mode = #tpu.pipeline_mode<synchronous>, transform_indices = @transform_7, window_bounds = array<i64: 128, 128>}, {transform_indices = @transform_8, window_bounds = array<i64: 1, 2560>}, {transform_indices = @transform_9, window_bounds = array<i64: 2560, 128>}]} {
    %get3A = arith.constant 0 : index
    %get3A_0 = arith.constant 128 : index
    %get3A_1 = vector.load %arg1[%get3A, %get3A_0] : memref<2560x144xf32, #tpu.memory_space<vmem>>, vector<2560x16xf32>
    %transpose3A = tpu.transpose %get3A_1, [1, 0] : vector<2560x16xf32> -> vector<16x2560xf32>
    %reshape3A = vector.shape_cast %transpose3A : vector<16x2560xf32> to vector<16x20x128xf32>
    %get3A_2 = arith.constant 0 : index
    %get3A_3 = arith.constant 32 : index
    %get3A_4 = vector.load %arg2[%get3A_2, %get3A_3] : memref<2560x48xf32, #tpu.memory_space<vmem>>, vector<2560x16xf32>
    %transpose3A_5 = tpu.transpose %get3A_4, [1, 0] : vector<2560x16xf32> -> vector<16x2560xf32>
    %reshape3A_6 = vector.shape_cast %transpose3A_5 : vector<16x2560xf32> to vector<16x20x128xf32>
    %sub3A = arith.subf %reshape3A_6, %reshape3A : vector<16x20x128xf32>
    %mul3A = arith.mulf %sub3A, %sub3A : vector<16x20x128xf32>
    %reduce_sum3A = arith.constant dense<0.000000e+00> : vector<20x128xf32>
    %reduce_sum3A_7 = vector.multi_reduction <add>, %mul3A, %reduce_sum3A [0] : vector<16x20x128xf32> to vector<20x128xf32>
    %add3A = arith.constant 9.99999971E-10 : f32
    %add3A_8 = vector.broadcast %add3A : f32 to vector<20x128xf32>
    %add3A_9 = arith.addf %reduce_sum3A_7, %add3A_8 : vector<20x128xf32>
    %sqrt3A = math.sqrt %add3A_9 : vector<20x128xf32>
    %sub3A_10 = arith.constant 0.000000e+00 : f32
    %sub3A_11 = vector.broadcast %sub3A_10 : f32 to vector<20x128xf32>
    %sub3A_12 = arith.subf %sqrt3A, %sub3A_11 : vector<20x128xf32>
    %div3A = arith.constant 3.000000e-01 : f32
    %div3A_13 = vector.broadcast %div3A : f32 to vector<20x128xf32>
    %div3A_14 = arith.divf %sub3A_12, %div3A_13 : vector<20x128xf32>
    %integer_pow3A = arith.mulf %div3A_14, %div3A_14 : vector<20x128xf32>
    %neg3A = arith.constant 0.000000e+00 : f32
    %neg3A_15 = vector.broadcast %neg3A : f32 to vector<20x128xf32>
    %neg3A_16 = arith.subf %neg3A_15, %integer_pow3A : vector<20x128xf32>
    %exp3A = math.exp %neg3A_16 : vector<20x128xf32>
    %sub3A_17 = arith.constant 0.333333343 : f32
    %sub3A_18 = vector.broadcast %sub3A_17 : f32 to vector<20x128xf32>
    %sub3A_19 = arith.subf %sqrt3A, %sub3A_18 : vector<20x128xf32>
    %div3A_20 = arith.constant 3.000000e-01 : f32
    %div3A_21 = vector.broadcast %div3A_20 : f32 to vector<20x128xf32>
    %div3A_22 = arith.divf %sub3A_19, %div3A_21 : vector<20x128xf32>
    %integer_pow3A_23 = arith.mulf %div3A_22, %div3A_22 : vector<20x128xf32>
    %neg3A_24 = arith.constant 0.000000e+00 : f32
    %neg3A_25 = vector.broadcast %neg3A_24 : f32 to vector<20x128xf32>
    %neg3A_26 = arith.subf %neg3A_25, %integer_pow3A_23 : vector<20x128xf32>
    %exp3A_27 = math.exp %neg3A_26 : vector<20x128xf32>
    %sub3A_28 = arith.constant 0.666666686 : f32
    %sub3A_29 = vector.broadcast %sub3A_28 : f32 to vector<20x128xf32>
    %sub3A_30 = arith.subf %sqrt3A, %sub3A_29 : vector<20x128xf32>
    %div3A_31 = arith.constant 3.000000e-01 : f32
    %div3A_32 = vector.broadcast %div3A_31 : f32 to vector<20x128xf32>
    %div3A_33 = arith.divf %sub3A_30, %div3A_32 : vector<20x128xf32>
    %integer_pow3A_34 = arith.mulf %div3A_33, %div3A_33 : vector<20x128xf32>
    %neg3A_35 = arith.constant 0.000000e+00 : f32
    %neg3A_36 = vector.broadcast %neg3A_35 : f32 to vector<20x128xf32>
    %neg3A_37 = arith.subf %neg3A_36, %integer_pow3A_34 : vector<20x128xf32>
    %exp3A_38 = math.exp %neg3A_37 : vector<20x128xf32>
    %sub3A_39 = arith.constant 1.000000e+00 : f32
    %sub3A_40 = vector.broadcast %sub3A_39 : f32 to vector<20x128xf32>
    %sub3A_41 = arith.subf %sqrt3A, %sub3A_40 : vector<20x128xf32>
    %div3A_42 = arith.constant 3.000000e-01 : f32
    %div3A_43 = vector.broadcast %div3A_42 : f32 to vector<20x128xf32>
    %div3A_44 = arith.divf %sub3A_41, %div3A_43 : vector<20x128xf32>
    %integer_pow3A_45 = arith.mulf %div3A_44, %div3A_44 : vector<20x128xf32>
    %neg3A_46 = arith.constant 0.000000e+00 : f32
    %neg3A_47 = vector.broadcast %neg3A_46 : f32 to vector<20x128xf32>
    %neg3A_48 = arith.subf %neg3A_47, %integer_pow3A_45 : vector<20x128xf32>
    %exp3A_49 = math.exp %neg3A_48 : vector<20x128xf32>
    %sub3A_50 = arith.constant 1.33333337 : f32
    %sub3A_51 = vector.broadcast %sub3A_50 : f32 to vector<20x128xf32>
    %sub3A_52 = arith.subf %sqrt3A, %sub3A_51 : vector<20x128xf32>
    %div3A_53 = arith.constant 3.000000e-01 : f32
    %div3A_54 = vector.broadcast %div3A_53 : f32 to vector<20x128xf32>
    %div3A_55 = arith.divf %sub3A_52, %div3A_54 : vector<20x128xf32>
    %integer_pow3A_56 = arith.mulf %div3A_55, %div3A_55 : vector<20x128xf32>
    %neg3A_57 = arith.constant 0.000000e+00 : f32
    %neg3A_58 = vector.broadcast %neg3A_57 : f32 to vector<20x128xf32>
    %neg3A_59 = arith.subf %neg3A_58, %integer_pow3A_56 : vector<20x128xf32>
    %exp3A_60 = math.exp %neg3A_59 : vector<20x128xf32>
    %sub3A_61 = arith.constant 1.66666663 : f32
    %sub3A_62 = vector.broadcast %sub3A_61 : f32 to vector<20x128xf32>
    %sub3A_63 = arith.subf %sqrt3A, %sub3A_62 : vector<20x128xf32>
    %div3A_64 = arith.constant 3.000000e-01 : f32
    %div3A_65 = vector.broadcast %div3A_64 : f32 to vector<20x128xf32>
    %div3A_66 = arith.divf %sub3A_63, %div3A_65 : vector<20x128xf32>
    %integer_pow3A_67 = arith.mulf %div3A_66, %div3A_66 : vector<20x128xf32>
    %neg3A_68 = arith.constant 0.000000e+00 : f32
    %neg3A_69 = vector.broadcast %neg3A_68 : f32 to vector<20x128xf32>
    %neg3A_70 = arith.subf %neg3A_69, %integer_pow3A_67 : vector<20x128xf32>
    %exp3A_71 = math.exp %neg3A_70 : vector<20x128xf32>
    %sub3A_72 = arith.constant 2.000000e+00 : f32
    %sub3A_73 = vector.broadcast %sub3A_72 : f32 to vector<20x128xf32>
    %sub3A_74 = arith.subf %sqrt3A, %sub3A_73 : vector<20x128xf32>
    %div3A_75 = arith.constant 3.000000e-01 : f32
    %div3A_76 = vector.broadcast %div3A_75 : f32 to vector<20x128xf32>
    %div3A_77 = arith.divf %sub3A_74, %div3A_76 : vector<20x128xf32>
    %integer_pow3A_78 = arith.mulf %div3A_77, %div3A_77 : vector<20x128xf32>
    %neg3A_79 = arith.constant 0.000000e+00 : f32
    %neg3A_80 = vector.broadcast %neg3A_79 : f32 to vector<20x128xf32>
    %neg3A_81 = arith.subf %neg3A_80, %integer_pow3A_78 : vector<20x128xf32>
    %exp3A_82 = math.exp %neg3A_81 : vector<20x128xf32>
    %sub3A_83 = arith.constant 2.33333325 : f32
    %sub3A_84 = vector.broadcast %sub3A_83 : f32 to vector<20x128xf32>
    %sub3A_85 = arith.subf %sqrt3A, %sub3A_84 : vector<20x128xf32>
    %div3A_86 = arith.constant 3.000000e-01 : f32
    %div3A_87 = vector.broadcast %div3A_86 : f32 to vector<20x128xf32>
    %div3A_88 = arith.divf %sub3A_85, %div3A_87 : vector<20x128xf32>
    %integer_pow3A_89 = arith.mulf %div3A_88, %div3A_88 : vector<20x128xf32>
    %neg3A_90 = arith.constant 0.000000e+00 : f32
    %neg3A_91 = vector.broadcast %neg3A_90 : f32 to vector<20x128xf32>
    %neg3A_92 = arith.subf %neg3A_91, %integer_pow3A_89 : vector<20x128xf32>
    %exp3A_93 = math.exp %neg3A_92 : vector<20x128xf32>
    %sub3A_94 = arith.constant 2.66666675 : f32
    %sub3A_95 = vector.broadcast %sub3A_94 : f32 to vector<20x128xf32>
    %sub3A_96 = arith.subf %sqrt3A, %sub3A_95 : vector<20x128xf32>
    %div3A_97 = arith.constant 3.000000e-01 : f32
    %div3A_98 = vector.broadcast %div3A_97 : f32 to vector<20x128xf32>
    %div3A_99 = arith.divf %sub3A_96, %div3A_98 : vector<20x128xf32>
    %integer_pow3A_100 = arith.mulf %div3A_99, %div3A_99 : vector<20x128xf32>
    %neg3A_101 = arith.constant 0.000000e+00 : f32
    %neg3A_102 = vector.broadcast %neg3A_101 : f32 to vector<20x128xf32>
    %neg3A_103 = arith.subf %neg3A_102, %integer_pow3A_100 : vector<20x128xf32>
    %exp3A_104 = math.exp %neg3A_103 : vector<20x128xf32>
    %sub3A_105 = arith.constant 3.000000e+00 : f32
    %sub3A_106 = vector.broadcast %sub3A_105 : f32 to vector<20x128xf32>
    %sub3A_107 = arith.subf %sqrt3A, %sub3A_106 : vector<20x128xf32>
    %div3A_108 = arith.constant 3.000000e-01 : f32
    %div3A_109 = vector.broadcast %div3A_108 : f32 to vector<20x128xf32>
    %div3A_110 = arith.divf %sub3A_107, %div3A_109 : vector<20x128xf32>
    %integer_pow3A_111 = arith.mulf %div3A_110, %div3A_110 : vector<20x128xf32>
    %neg3A_112 = arith.constant 0.000000e+00 : f32
    %neg3A_113 = vector.broadcast %neg3A_112 : f32 to vector<20x128xf32>
    %neg3A_114 = arith.subf %neg3A_113, %integer_pow3A_111 : vector<20x128xf32>
    %exp3A_115 = math.exp %neg3A_114 : vector<20x128xf32>
    %stack3A = vector.shape_cast %exp3A : vector<20x128xf32> to vector<1x20x128xf32>
    %stack3A_116 = vector.shape_cast %exp3A_27 : vector<20x128xf32> to vector<1x20x128xf32>
    %stack3A_117 = vector.shape_cast %exp3A_38 : vector<20x128xf32> to vector<1x20x128xf32>
    %stack3A_118 = vector.shape_cast %exp3A_49 : vector<20x128xf32> to vector<1x20x128xf32>
    %stack3A_119 = vector.shape_cast %exp3A_60 : vector<20x128xf32> to vector<1x20x128xf32>
    %stack3A_120 = vector.shape_cast %exp3A_71 : vector<20x128xf32> to vector<1x20x128xf32>
    %stack3A_121 = vector.shape_cast %exp3A_82 : vector<20x128xf32> to vector<1x20x128xf32>
    %stack3A_122 = vector.shape_cast %exp3A_93 : vector<20x128xf32> to vector<1x20x128xf32>
    %stack3A_123 = vector.shape_cast %exp3A_104 : vector<20x128xf32> to vector<1x20x128xf32>
    %stack3A_124 = vector.shape_cast %exp3A_115 : vector<20x128xf32> to vector<1x20x128xf32>
    %stack3A_125 = tpu.concatenate %stack3A, %stack3A_116, %stack3A_117, %stack3A_118, %stack3A_119, %stack3A_120, %stack3A_121, %stack3A_122, %stack3A_123, %stack3A_124 in 0 : vector<1x20x128xf32>, vector<1x20x128xf32>, vector<1x20x128xf32>, vector<1x20x128xf32>, vector<1x20x128xf32>, vector<1x20x128xf32>, vector<1x20x128xf32>, vector<1x20x128xf32>, vector<1x20x128xf32>, vector<1x20x128xf32> -> vector<10x20x128xf32>
    %mul3A_126 = arith.constant 3.1622777 : f32
    %mul3A_127 = vector.broadcast %mul3A_126 : f32 to vector<10x20x128xf32>
    %mul3A_128 = arith.mulf %stack3A_125, %mul3A_127 : vector<10x20x128xf32>
    %reshape3A_129 = vector.shape_cast %mul3A_128 : vector<10x20x128xf32> to vector<10x2560xf32>
    %get3A_130 = arith.constant 0 : index
    %get3A_131 = arith.constant 0 : index
    %get3A_132 = vector.load %arg3[%get3A_130, %get3A_131] : memref<16x10xf32, #tpu.memory_space<vmem>>, vector<16x10xf32>
    %dot_general3A = arith.constant dense<0.000000e+00> : vector<16x2560xf32>
    %dot_general3A_133 = tpu.matmul %get3A_132, %reshape3A_129, %dot_general3A {dimension_numbers = #tpu.dot_dimension_numbers<[1], [0], [0], [1], [0, 0, 1, 1], [], []>, transpose_lhs_hint = false} : vector<16x10xf32>, vector<10x2560xf32>, vector<16x2560xf32> -> vector<16x2560xf32>
    %logistic3A = arith.negf %dot_general3A_133 : vector<16x2560xf32>
    %logistic3A_134 = math.exp %logistic3A : vector<16x2560xf32>
    %logistic3A_135 = arith.constant 1.000000e+00 : f32
    %logistic3A_136 = vector.broadcast %logistic3A_135 : f32 to vector<16x2560xf32>
    %logistic3A_137 = arith.addf %logistic3A_136, %logistic3A_134 : vector<16x2560xf32>
    %logistic3A_138 = arith.divf %logistic3A_136, %logistic3A_137 : vector<16x2560xf32>
    %mul3A_139 = arith.mulf %dot_general3A_133, %logistic3A_138 : vector<16x2560xf32>
    %get3A_140 = arith.constant 0 : index
    %get3A_141 = arith.constant 0 : index
    %get3A_142 = vector.load %arg4[%get3A_140, %get3A_141] : memref<16x10xf32, #tpu.memory_space<vmem>>, vector<16x10xf32>
    %dot_general3A_143 = arith.constant dense<0.000000e+00> : vector<16x2560xf32>
    %dot_general3A_144 = tpu.matmul %get3A_142, %reshape3A_129, %dot_general3A_143 {dimension_numbers = #tpu.dot_dimension_numbers<[1], [0], [0], [1], [0, 0, 1, 1], [], []>, transpose_lhs_hint = false} : vector<16x10xf32>, vector<10x2560xf32>, vector<16x2560xf32> -> vector<16x2560xf32>
    %logistic3A_145 = arith.negf %dot_general3A_144 : vector<16x2560xf32>
    %logistic3A_146 = math.exp %logistic3A_145 : vector<16x2560xf32>
    %logistic3A_147 = arith.constant 1.000000e+00 : f32
    %logistic3A_148 = vector.broadcast %logistic3A_147 : f32 to vector<16x2560xf32>
    %logistic3A_149 = arith.addf %logistic3A_148, %logistic3A_146 : vector<16x2560xf32>
    %logistic3A_150 = arith.divf %logistic3A_148, %logistic3A_149 : vector<16x2560xf32>
    %mul3A_151 = arith.mulf %dot_general3A_144, %logistic3A_150 : vector<16x2560xf32>
    %div3A_152 = arith.constant 3.000000e+00 : f32
    %div3A_153 = vector.broadcast %div3A_152 : f32 to vector<20x128xf32>
    %div3A_154 = arith.divf %sqrt3A, %div3A_153 : vector<20x128xf32>
    %jit3A = arith.constant 0.000000e+00 : f32
    %jit3A_155 = arith.constant 1.000000e+00 : f32
    %max3A = vector.broadcast %jit3A : f32 to vector<20x128xf32>
    %max3A_156 = arith.maximumf %max3A, %div3A_154 : vector<20x128xf32>
    %min3A = vector.broadcast %jit3A_155 : f32 to vector<20x128xf32>
    %min3A_157 = arith.minimumf %min3A, %max3A_156 : vector<20x128xf32>
    %mul3A_158 = arith.constant 3.14159274 : f32
    %mul3A_159 = vector.broadcast %mul3A_158 : f32 to vector<20x128xf32>
    %mul3A_160 = arith.mulf %mul3A_159, %min3A_157 : vector<20x128xf32>
    %cos3A = math.cos %mul3A_160 : vector<20x128xf32>
    %add3A_161 = arith.constant 1.000000e+00 : f32
    %add3A_162 = vector.broadcast %add3A_161 : f32 to vector<20x128xf32>
    %add3A_163 = arith.addf %cos3A, %add3A_162 : vector<20x128xf32>
    %mul3A_164 = arith.constant 5.000000e-01 : f32
    %mul3A_165 = vector.broadcast %mul3A_164 : f32 to vector<20x128xf32>
    %mul3A_166 = arith.mulf %mul3A_165, %add3A_163 : vector<20x128xf32>
    %get3A_167 = arith.constant 0 : index
    %get3A_168 = arith.constant 0 : index
    %get3A_169 = vector.load %arg2[%get3A_167, %get3A_168] : memref<2560x48xf32, #tpu.memory_space<vmem>>, vector<2560x32xf32>
    %get3A_170 = arith.constant 0 : index
    %get3A_171 = arith.constant 0 : index
    %get3A_172 = vector.load %arg5[%get3A_170, %get3A_171] : memref<32x128xf32, #tpu.memory_space<vmem>>, vector<32x128xf32>
    %dot_general3A_173 = arith.constant dense<0.000000e+00> : vector<2560x128xf32>
    %dot_general3A_174 = tpu.matmul %get3A_169, %get3A_172, %dot_general3A_173 {dimension_numbers = #tpu.dot_dimension_numbers<[1], [0], [0], [1], [0, 0, 1, 1], [], []>, transpose_lhs_hint = false} : vector<2560x32xf32>, vector<32x128xf32>, vector<2560x128xf32> -> vector<2560x128xf32>
    %get3A_175 = arith.constant 0 : index
    %get3A_176 = arith.constant 0 : index
    %get3A_177 = vector.load %arg1[%get3A_175, %get3A_176] : memref<2560x144xf32, #tpu.memory_space<vmem>>, vector<2560x128xf32>
    %mul3A_178 = arith.mulf %dot_general3A_174, %get3A_177 : vector<2560x128xf32>
    %get3A_179 = arith.constant 0 : index
    %get3A_180 = arith.constant 0 : index
    %get3A_181 = vector.load %arg6[%get3A_179, %get3A_180] : memref<128x16xf32, #tpu.memory_space<vmem>>, vector<128x16xf32>
    %dot_general3A_182 = arith.constant dense<0.000000e+00> : vector<2560x16xf32>
    %dot_general3A_183 = tpu.matmul %mul3A_178, %get3A_181, %dot_general3A_182 {dimension_numbers = #tpu.dot_dimension_numbers<[1], [0], [0], [1], [0, 0, 1, 1], [], []>, transpose_lhs_hint = false} : vector<2560x128xf32>, vector<128x16xf32>, vector<2560x16xf32> -> vector<2560x16xf32>
    %transpose3A_184 = tpu.transpose %dot_general3A_183, [1, 0] : vector<2560x16xf32> -> vector<16x2560xf32>
    %reshape3A_185 = vector.shape_cast %transpose3A_184 : vector<16x2560xf32> to vector<16x20x128xf32>
    %reshape3A_186 = vector.shape_cast %mul3A_139 : vector<16x2560xf32> to vector<16x20x128xf32>
    %slice3A = vector.extract_strided_slice %reshape3A_186 {offsets = [0, 0, 0], sizes = [1, 20, 128], strides = [1, 1, 1]} : vector<16x20x128xf32> to vector<1x20x128xf32>
    %squeeze3A = vector.shape_cast %slice3A : vector<1x20x128xf32> to vector<20x128xf32>
    %slice3A_187 = vector.extract_strided_slice %reshape3A_185 {offsets = [0, 0, 0], sizes = [1, 20, 128], strides = [1, 1, 1]} : vector<16x20x128xf32> to vector<1x20x128xf32>
    %squeeze3A_188 = vector.shape_cast %slice3A_187 : vector<1x20x128xf32> to vector<20x128xf32>
    %mul3A_189 = arith.mulf %squeeze3A, %squeeze3A_188 : vector<20x128xf32>
    %slice3A_190 = vector.extract_strided_slice %reshape3A_186 {offsets = [1, 0, 0], sizes = [1, 20, 128], strides = [1, 1, 1]} : vector<16x20x128xf32> to vector<1x20x128xf32>
    %squeeze3A_191 = vector.shape_cast %slice3A_190 : vector<1x20x128xf32> to vector<20x128xf32>
    %slice3A_192 = vector.extract_strided_slice %reshape3A_185 {offsets = [1, 0, 0], sizes = [1, 20, 128], strides = [1, 1, 1]} : vector<16x20x128xf32> to vector<1x20x128xf32>
    %squeeze3A_193 = vector.shape_cast %slice3A_192 : vector<1x20x128xf32> to vector<20x128xf32>
    %mul3A_194 = arith.mulf %squeeze3A_191, %squeeze3A_193 : vector<20x128xf32>
    %add3A_195 = arith.addf %mul3A_189, %mul3A_194 : vector<20x128xf32>
    %slice3A_196 = vector.extract_strided_slice %reshape3A_186 {offsets = [2, 0, 0], sizes = [1, 20, 128], strides = [1, 1, 1]} : vector<16x20x128xf32> to vector<1x20x128xf32>
    %squeeze3A_197 = vector.shape_cast %slice3A_196 : vector<1x20x128xf32> to vector<20x128xf32>
    %slice3A_198 = vector.extract_strided_slice %reshape3A_185 {offsets = [2, 0, 0], sizes = [1, 20, 128], strides = [1, 1, 1]} : vector<16x20x128xf32> to vector<1x20x128xf32>
    %squeeze3A_199 = vector.shape_cast %slice3A_198 : vector<1x20x128xf32> to vector<20x128xf32>
    %mul3A_200 = arith.mulf %squeeze3A_197, %squeeze3A_199 : vector<20x128xf32>
    %add3A_201 = arith.addf %add3A_195, %mul3A_200 : vector<20x128xf32>
    %slice3A_202 = vector.extract_strided_slice %reshape3A_186 {offsets = [3, 0, 0], sizes = [1, 20, 128], strides = [1, 1, 1]} : vector<16x20x128xf32> to vector<1x20x128xf32>
    %squeeze3A_203 = vector.shape_cast %slice3A_202 : vector<1x20x128xf32> to vector<20x128xf32>
    %slice3A_204 = vector.extract_strided_slice %reshape3A_185 {offsets = [3, 0, 0], sizes = [1, 20, 128], strides = [1, 1, 1]} : vector<16x20x128xf32> to vector<1x20x128xf32>
    %squeeze3A_205 = vector.shape_cast %slice3A_204 : vector<1x20x128xf32> to vector<20x128xf32>
    %mul3A_206 = arith.mulf %squeeze3A_203, %squeeze3A_205 : vector<20x128xf32>
    %add3A_207 = arith.addf %add3A_201, %mul3A_206 : vector<20x128xf32>
    %slice3A_208 = vector.extract_strided_slice %reshape3A_186 {offsets = [4, 0, 0], sizes = [1, 20, 128], strides = [1, 1, 1]} : vector<16x20x128xf32> to vector<1x20x128xf32>
    %squeeze3A_209 = vector.shape_cast %slice3A_208 : vector<1x20x128xf32> to vector<20x128xf32>
    %slice3A_210 = vector.extract_strided_slice %reshape3A_185 {offsets = [4, 0, 0], sizes = [1, 20, 128], strides = [1, 1, 1]} : vector<16x20x128xf32> to vector<1x20x128xf32>
    %squeeze3A_211 = vector.shape_cast %slice3A_210 : vector<1x20x128xf32> to vector<20x128xf32>
    %mul3A_212 = arith.mulf %squeeze3A_209, %squeeze3A_211 : vector<20x128xf32>
    %add3A_213 = arith.addf %add3A_207, %mul3A_212 : vector<20x128xf32>
    %slice3A_214 = vector.extract_strided_slice %reshape3A_186 {offsets = [5, 0, 0], sizes = [1, 20, 128], strides = [1, 1, 1]} : vector<16x20x128xf32> to vector<1x20x128xf32>
    %squeeze3A_215 = vector.shape_cast %slice3A_214 : vector<1x20x128xf32> to vector<20x128xf32>
    %slice3A_216 = vector.extract_strided_slice %reshape3A_185 {offsets = [5, 0, 0], sizes = [1, 20, 128], strides = [1, 1, 1]} : vector<16x20x128xf32> to vector<1x20x128xf32>
    %squeeze3A_217 = vector.shape_cast %slice3A_216 : vector<1x20x128xf32> to vector<20x128xf32>
    %mul3A_218 = arith.mulf %squeeze3A_215, %squeeze3A_217 : vector<20x128xf32>
    %add3A_219 = arith.addf %add3A_213, %mul3A_218 : vector<20x128xf32>
    %slice3A_220 = vector.extract_strided_slice %reshape3A_186 {offsets = [6, 0, 0], sizes = [1, 20, 128], strides = [1, 1, 1]} : vector<16x20x128xf32> to vector<1x20x128xf32>
    %squeeze3A_221 = vector.shape_cast %slice3A_220 : vector<1x20x128xf32> to vector<20x128xf32>
    %slice3A_222 = vector.extract_strided_slice %reshape3A_185 {offsets = [6, 0, 0], sizes = [1, 20, 128], strides = [1, 1, 1]} : vector<16x20x128xf32> to vector<1x20x128xf32>
    %squeeze3A_223 = vector.shape_cast %slice3A_222 : vector<1x20x128xf32> to vector<20x128xf32>
    %mul3A_224 = arith.mulf %squeeze3A_221, %squeeze3A_223 : vector<20x128xf32>
    %add3A_225 = arith.addf %add3A_219, %mul3A_224 : vector<20x128xf32>
    %slice3A_226 = vector.extract_strided_slice %reshape3A_186 {offsets = [7, 0, 0], sizes = [1, 20, 128], strides = [1, 1, 1]} : vector<16x20x128xf32> to vector<1x20x128xf32>
    %squeeze3A_227 = vector.shape_cast %slice3A_226 : vector<1x20x128xf32> to vector<20x128xf32>
    %slice3A_228 = vector.extract_strided_slice %reshape3A_185 {offsets = [7, 0, 0], sizes = [1, 20, 128], strides = [1, 1, 1]} : vector<16x20x128xf32> to vector<1x20x128xf32>
    %squeeze3A_229 = vector.shape_cast %slice3A_228 : vector<1x20x128xf32> to vector<20x128xf32>
    %mul3A_230 = arith.mulf %squeeze3A_227, %squeeze3A_229 : vector<20x128xf32>
    %add3A_231 = arith.addf %add3A_225, %mul3A_230 : vector<20x128xf32>
    %slice3A_232 = vector.extract_strided_slice %reshape3A_186 {offsets = [8, 0, 0], sizes = [1, 20, 128], strides = [1, 1, 1]} : vector<16x20x128xf32> to vector<1x20x128xf32>
    %squeeze3A_233 = vector.shape_cast %slice3A_232 : vector<1x20x128xf32> to vector<20x128xf32>
    %slice3A_234 = vector.extract_strided_slice %reshape3A_185 {offsets = [8, 0, 0], sizes = [1, 20, 128], strides = [1, 1, 1]} : vector<16x20x128xf32> to vector<1x20x128xf32>
    %squeeze3A_235 = vector.shape_cast %slice3A_234 : vector<1x20x128xf32> to vector<20x128xf32>
    %mul3A_236 = arith.mulf %squeeze3A_233, %squeeze3A_235 : vector<20x128xf32>
    %add3A_237 = arith.addf %add3A_231, %mul3A_236 : vector<20x128xf32>
    %slice3A_238 = vector.extract_strided_slice %reshape3A_186 {offsets = [9, 0, 0], sizes = [1, 20, 128], strides = [1, 1, 1]} : vector<16x20x128xf32> to vector<1x20x128xf32>
    %squeeze3A_239 = vector.shape_cast %slice3A_238 : vector<1x20x128xf32> to vector<20x128xf32>
    %slice3A_240 = vector.extract_strided_slice %reshape3A_185 {offsets = [9, 0, 0], sizes = [1, 20, 128], strides = [1, 1, 1]} : vector<16x20x128xf32> to vector<1x20x128xf32>
    %squeeze3A_241 = vector.shape_cast %slice3A_240 : vector<1x20x128xf32> to vector<20x128xf32>
    %mul3A_242 = arith.mulf %squeeze3A_239, %squeeze3A_241 : vector<20x128xf32>
    %add3A_243 = arith.addf %add3A_237, %mul3A_242 : vector<20x128xf32>
    %slice3A_244 = vector.extract_strided_slice %reshape3A_186 {offsets = [10, 0, 0], sizes = [1, 20, 128], strides = [1, 1, 1]} : vector<16x20x128xf32> to vector<1x20x128xf32>
    %squeeze3A_245 = vector.shape_cast %slice3A_244 : vector<1x20x128xf32> to vector<20x128xf32>
    %slice3A_246 = vector.extract_strided_slice %reshape3A_185 {offsets = [10, 0, 0], sizes = [1, 20, 128], strides = [1, 1, 1]} : vector<16x20x128xf32> to vector<1x20x128xf32>
    %squeeze3A_247 = vector.shape_cast %slice3A_246 : vector<1x20x128xf32> to vector<20x128xf32>
    %mul3A_248 = arith.mulf %squeeze3A_245, %squeeze3A_247 : vector<20x128xf32>
    %add3A_249 = arith.addf %add3A_243, %mul3A_248 : vector<20x128xf32>
    %slice3A_250 = vector.extract_strided_slice %reshape3A_186 {offsets = [11, 0, 0], sizes = [1, 20, 128], strides = [1, 1, 1]} : vector<16x20x128xf32> to vector<1x20x128xf32>
    %squeeze3A_251 = vector.shape_cast %slice3A_250 : vector<1x20x128xf32> to vector<20x128xf32>
    %slice3A_252 = vector.extract_strided_slice %reshape3A_185 {offsets = [11, 0, 0], sizes = [1, 20, 128], strides = [1, 1, 1]} : vector<16x20x128xf32> to vector<1x20x128xf32>
    %squeeze3A_253 = vector.shape_cast %slice3A_252 : vector<1x20x128xf32> to vector<20x128xf32>
    %mul3A_254 = arith.mulf %squeeze3A_251, %squeeze3A_253 : vector<20x128xf32>
    %add3A_255 = arith.addf %add3A_249, %mul3A_254 : vector<20x128xf32>
    %slice3A_256 = vector.extract_strided_slice %reshape3A_186 {offsets = [12, 0, 0], sizes = [1, 20, 128], strides = [1, 1, 1]} : vector<16x20x128xf32> to vector<1x20x128xf32>
    %squeeze3A_257 = vector.shape_cast %slice3A_256 : vector<1x20x128xf32> to vector<20x128xf32>
    %slice3A_258 = vector.extract_strided_slice %reshape3A_185 {offsets = [12, 0, 0], sizes = [1, 20, 128], strides = [1, 1, 1]} : vector<16x20x128xf32> to vector<1x20x128xf32>
    %squeeze3A_259 = vector.shape_cast %slice3A_258 : vector<1x20x128xf32> to vector<20x128xf32>
    %mul3A_260 = arith.mulf %squeeze3A_257, %squeeze3A_259 : vector<20x128xf32>
    %add3A_261 = arith.addf %add3A_255, %mul3A_260 : vector<20x128xf32>
    %slice3A_262 = vector.extract_strided_slice %reshape3A_186 {offsets = [13, 0, 0], sizes = [1, 20, 128], strides = [1, 1, 1]} : vector<16x20x128xf32> to vector<1x20x128xf32>
    %squeeze3A_263 = vector.shape_cast %slice3A_262 : vector<1x20x128xf32> to vector<20x128xf32>
    %slice3A_264 = vector.extract_strided_slice %reshape3A_185 {offsets = [13, 0, 0], sizes = [1, 20, 128], strides = [1, 1, 1]} : vector<16x20x128xf32> to vector<1x20x128xf32>
    %squeeze3A_265 = vector.shape_cast %slice3A_264 : vector<1x20x128xf32> to vector<20x128xf32>
    %mul3A_266 = arith.mulf %squeeze3A_263, %squeeze3A_265 : vector<20x128xf32>
    %add3A_267 = arith.addf %add3A_261, %mul3A_266 : vector<20x128xf32>
    %slice3A_268 = vector.extract_strided_slice %reshape3A_186 {offsets = [14, 0, 0], sizes = [1, 20, 128], strides = [1, 1, 1]} : vector<16x20x128xf32> to vector<1x20x128xf32>
    %squeeze3A_269 = vector.shape_cast %slice3A_268 : vector<1x20x128xf32> to vector<20x128xf32>
    %slice3A_270 = vector.extract_strided_slice %reshape3A_185 {offsets = [14, 0, 0], sizes = [1, 20, 128], strides = [1, 1, 1]} : vector<16x20x128xf32> to vector<1x20x128xf32>
    %squeeze3A_271 = vector.shape_cast %slice3A_270 : vector<1x20x128xf32> to vector<20x128xf32>
    %mul3A_272 = arith.mulf %squeeze3A_269, %squeeze3A_271 : vector<20x128xf32>
    %add3A_273 = arith.addf %add3A_267, %mul3A_272 : vector<20x128xf32>
    %slice3A_274 = vector.extract_strided_slice %reshape3A_186 {offsets = [15, 0, 0], sizes = [1, 20, 128], strides = [1, 1, 1]} : vector<16x20x128xf32> to vector<1x20x128xf32>
    %squeeze3A_275 = vector.shape_cast %slice3A_274 : vector<1x20x128xf32> to vector<20x128xf32>
    %slice3A_276 = vector.extract_strided_slice %reshape3A_185 {offsets = [15, 0, 0], sizes = [1, 20, 128], strides = [1, 1, 1]} : vector<16x20x128xf32> to vector<1x20x128xf32>
    %squeeze3A_277 = vector.shape_cast %slice3A_276 : vector<1x20x128xf32> to vector<20x128xf32>
    %mul3A_278 = arith.mulf %squeeze3A_275, %squeeze3A_277 : vector<20x128xf32>
    %add3A_279 = arith.addf %add3A_273, %mul3A_278 : vector<20x128xf32>
    %exp3A_280 = math.exp %add3A_279 : vector<20x128xf32>
    %mul3A_281 = arith.mulf %mul3A_166, %exp3A_280 : vector<20x128xf32>
    %sqrt3A_282 = math.sqrt %mul3A_281 : vector<20x128xf32>
    %reshape3A_283 = vector.shape_cast %sqrt3A_282 : vector<20x128xf32> to vector<1x2560xf32>
    %swap3A = arith.constant 0 : index
    %swap3A_284 = arith.constant 0 : index
    %swap3A_285 = vector.load %arg9[%swap3A, %swap3A_284] : memref<1x2560xf32, #tpu.memory_space<vmem>>, vector<1x2560xf32>
    tpu.vector_store %arg9[%swap3A, %swap3A_284], %reshape3A_283 {strides = array<i32>} : memref<1x2560xf32, #tpu.memory_space<vmem>>, vector<1x2560xf32>,
    %transpose3A_286 = tpu.transpose %mul3A_151, [1, 0] : vector<16x2560xf32> -> vector<2560x16xf32>
    %get3A_287 = arith.constant 0 : index
    %get3A_288 = arith.constant 0 : index
    %get3A_289 = vector.load %arg7[%get3A_287, %get3A_288] : memref<16x128xf32, #tpu.memory_space<vmem>>, vector<16x128xf32>
    %dot_general3A_290 = arith.constant dense<0.000000e+00> : vector<2560x128xf32>
    %dot_general3A_291 = tpu.matmul %transpose3A_286, %get3A_289, %dot_general3A_290 {dimension_numbers = #tpu.dot_dimension_numbers<[1], [0], [0], [1], [0, 0, 1, 1], [], []>, transpose_lhs_hint = false} : vector<2560x16xf32>, vector<16x128xf32>, vector<2560x128xf32> -> vector<2560x128xf32>
    %mul3A_292 = arith.mulf %get3A_177, %dot_general3A_291 : vector<2560x128xf32>
    %get3A_293 = arith.constant 0 : index
    %get3A_294 = arith.constant 0 : index
    %get3A_295 = vector.load %arg8[%get3A_293, %get3A_294] : memref<128x128xf32, #tpu.memory_space<vmem>>, vector<128x128xf32>
    %dot_general3A_296 = arith.constant dense<0.000000e+00> : vector<2560x128xf32>
    %dot_general3A_297 = tpu.matmul %mul3A_292, %get3A_295, %dot_general3A_296 {dimension_numbers = #tpu.dot_dimension_numbers<[1], [0], [0], [1], [0, 0, 1, 1], [], []>, transpose_lhs_hint = false} : vector<2560x128xf32>, vector<128x128xf32>, vector<2560x128xf32> -> vector<2560x128xf32>
    %reshape3A_298 = vector.shape_cast %sqrt3A_282 : vector<20x128xf32> to vector<1x2560xf32>
    %transpose3A_299 = tpu.transpose %reshape3A_298, [1, 0] : vector<1x2560xf32> -> vector<2560x1xf32>
    %mul3A_300 = vector.broadcast %transpose3A_299 : vector<2560x1xf32> to vector<2560x128xf32>
    %mul3A_301 = arith.mulf %dot_general3A_297, %mul3A_300 : vector<2560x128xf32>
    %swap3A_302 = arith.constant 0 : index
    %swap3A_303 = arith.constant 0 : index
    %swap3A_304 = vector.load %arg10[%swap3A_302, %swap3A_303] : memref<2560x128xf32, #tpu.memory_space<vmem>>, vector<2560x128xf32>
    tpu.vector_store %arg10[%swap3A_302, %swap3A_303], %mul3A_301 {strides = array<i32>} : memref<2560x128xf32, #tpu.memory_space<vmem>>, vector<2560x128xf32>,
    return
  }
  func.func @transform_0(%arg0: i32) -> (i32, i32) {
    %c0_i32 = arith.constant 0 : i32
    %c0_i32_0 = arith.constant 0 : i32
    return %arg0, %c0_i32 : i32, i32
  }
  func.func @transform_1(%arg0: i32) -> (i32, i32) {
    %c0_i32 = arith.constant 0 : i32
    %c0_i32_0 = arith.constant 0 : i32
    return %arg0, %c0_i32 : i32, i32
  }
  func.func @transform_2(%arg0: i32) -> (i32, i32) {
    %c0_i32 = arith.constant 0 : i32
    %c0_i32_0 = arith.constant 0 : i32
    %c0_i32_1 = arith.constant 0 : i32
    return %c0_i32, %c0_i32_0 : i32, i32
  }
  func.func @transform_3(%arg0: i32) -> (i32, i32) {
    %c0_i32 = arith.constant 0 : i32
    %c0_i32_0 = arith.constant 0 : i32
    %c0_i32_1 = arith.constant 0 : i32
    return %c0_i32, %c0_i32_0 : i32, i32
  }
  func.func @transform_4(%arg0: i32) -> (i32, i32) {
    %c0_i32 = arith.constant 0 : i32
    %c0_i32_0 = arith.constant 0 : i32
    %c0_i32_1 = arith.constant 0 : i32
    return %c0_i32, %c0_i32_0 : i32, i32
  }
  func.func @transform_5(%arg0: i32) -> (i32, i32) {
    %c0_i32 = arith.constant 0 : i32
    %c0_i32_0 = arith.constant 0 : i32
    %c0_i32_1 = arith.constant 0 : i32
    return %c0_i32, %c0_i32_0 : i32, i32
  }
  func.func @transform_6(%arg0: i32) -> (i32, i32) {
    %c0_i32 = arith.constant 0 : i32
    %c0_i32_0 = arith.constant 0 : i32
    %c0_i32_1 = arith.constant 0 : i32
    return %c0_i32, %c0_i32_0 : i32, i32
  }
  func.func @transform_7(%arg0: i32) -> (i32, i32) {
    %c0_i32 = arith.constant 0 : i32
    %c0_i32_0 = arith.constant 0 : i32
    %c0_i32_1 = arith.constant 0 : i32
    return %c0_i32, %c0_i32_0 : i32, i32
  }
  func.func @transform_8(%arg0: i32) -> (i32, i32) {
    %c0_i32 = arith.constant 0 : i32
    %c0_i32_0 = arith.constant 0 : i32
    return %c0_i32, %arg0 : i32, i32
  }
  func.func @transform_9(%arg0: i32) -> (i32, i32) {
    %c0_i32 = arith.constant 0 : i32
    %c0_i32_0 = arith.constant 0 : i32
    return %arg0, %c0_i32 : i32, i32
  }
}

module attributes {stable_mosaic.version = 14 : i64} {
  func.func @_finish_body(%arg0: i32, %arg1: memref<2x2000x128xf32, #tpu.memory_space<vmem>>, %arg2: memref<2000x32xf32, #tpu.memory_space<vmem>>, %arg3: memref<2000x128xf32, #tpu.memory_space<vmem>>) attributes {dimension_semantics = [#tpu.dimension_semantics<arbitrary>], iteration_bounds = array<i64: 5>, scalar_prefetch = 0 : i64, scratch_operands = 0 : i64, tpu.core_type = #tpu.core_type<tc>, window_params = [{transform_indices = @transform_0, window_bounds = array<i64: 2, 2000, 128>}, {transform_indices = @transform_1, window_bounds = array<i64: 2000, 32>}, {transform_indices = @transform_2, window_bounds = array<i64: 2000, 128>}]} {
    %get3A = arith.constant 0 : index
    %get3A_0 = arith.constant 0 : index
    %get3A_1 = vector.load %arg2[%get3A, %get3A_0] : memref<2000x32xf32, #tpu.memory_space<vmem>>, vector<2000x32xf32>
    %reduce_sum3A = arith.constant dense<0.000000e+00> : vector<2000xf32>
    %reduce_sum3A_2 = vector.multi_reduction <add>, %get3A_1, %reduce_sum3A [1] : vector<2000x32xf32> to vector<2000xf32>
    %broadcast_in_dim3A = vector.shape_cast %reduce_sum3A_2 : vector<2000xf32> to vector<2000x1xf32>
    %add3A = arith.constant 9.99999971E-10 : f32
    %add3A_3 = vector.broadcast %add3A : f32 to vector<2000x1xf32>
    %add3A_4 = arith.addf %broadcast_in_dim3A, %add3A_3 : vector<2000x1xf32>
    %get3A_5 = arith.constant 0 : index
    %get3A_6 = arith.constant 0 : index
    %get3A_7 = arith.constant 0 : index
    %get3A_8 = vector.load %arg1[%get3A_5, %get3A_6, %get3A_7] : memref<2x2000x128xf32, #tpu.memory_space<vmem>>, vector<1x2000x128xf32>
    %get3A_9 = vector.shape_cast %get3A_8 : vector<1x2000x128xf32> to vector<2000x128xf32>
    %get3A_10 = arith.constant 1 : index
    %get3A_11 = arith.constant 0 : index
    %get3A_12 = arith.constant 0 : index
    %get3A_13 = vector.load %arg1[%get3A_10, %get3A_11, %get3A_12] : memref<2x2000x128xf32, #tpu.memory_space<vmem>>, vector<1x2000x128xf32>
    %get3A_14 = vector.shape_cast %get3A_13 : vector<1x2000x128xf32> to vector<2000x128xf32>
    %add3A_15 = arith.addf %get3A_9, %get3A_14 : vector<2000x128xf32>
    %rsqrt3A = math.rsqrt %add3A_4 : vector<2000x1xf32>
    %mul3A = vector.broadcast %rsqrt3A : vector<2000x1xf32> to vector<2000x128xf32>
    %mul3A_16 = arith.mulf %add3A_15, %mul3A : vector<2000x128xf32>
    %swap3A = arith.constant 0 : index
    %swap3A_17 = arith.constant 0 : index
    %swap3A_18 = vector.load %arg3[%swap3A, %swap3A_17] : memref<2000x128xf32, #tpu.memory_space<vmem>>, vector<2000x128xf32>
    tpu.vector_store %arg3[%swap3A, %swap3A_17], %mul3A_16 {strides = array<i32>} : memref<2000x128xf32, #tpu.memory_space<vmem>>, vector<2000x128xf32>,
    return
  }
  func.func @transform_0(%arg0: i32) -> (i32, i32, i32) {
    %c0_i32 = arith.constant 0 : i32
    %c0_i32_0 = arith.constant 0 : i32
    %c0_i32_1 = arith.constant 0 : i32
    return %c0_i32, %arg0, %c0_i32_0 : i32, i32, i32
  }
  func.func @transform_1(%arg0: i32) -> (i32, i32) {
    %c0_i32 = arith.constant 0 : i32
    %c0_i32_0 = arith.constant 0 : i32
    return %arg0, %c0_i32 : i32, i32
  }
  func.func @transform_2(%arg0: i32) -> (i32, i32) {
    %c0_i32 = arith.constant 0 : i32
    %c0_i32_0 = arith.constant 0 : i32
    return %arg0, %c0_i32 : i32, i32
  }
}

</mosaic_0001>

<sc_bundles>
// kernel: kernel.10.cloned.1.call-start
scs
__scs_entry_jumppad:
0x0: {  	(pc) =	sbr.rel $0x88, $3  }
0x1: {  	(tag) =	ssettag $0x0;
	lr =	simm.s32 $0x1  }
0x2: {  	[smem:$0x3F97] =	sst lr;
	_ =	strace $0xD0000000  }
0x3: {  	_ = 	snop  }
0x4: {  	_ = 	snop  }
0x5: {  	_ = 	snop  }
0x6: {  	_ = 	snop  }
0x7: {  	_ = 	snop  }
__scs_overlays_trampoline_lowered:
0x8: {  	[smem:$0x3FA6] =	sst s0  }
0x9: {  	[smem:$0x3FA7] =	sst s1  }
0xa: {  	[smem:$0x3FA8] =	sst s2  }
0xb: {  	[smem:$0x3FA9] =	sst s3  }
0xc: {  	[smem:$0x3FAA] =	sst s4  }
0xd: {  	[smem:$0x3FAB] =	sst s5  }
0xe: {  	[smem:$0x3FAC] =	sst s6  }
0xf: {  	[smem:$0x3FAD] =	sst s7  }
0x10: {  	[smem:$0x3FAE] =	sst s8  }
0x11: {  	[smem:$0x3FAF] =	sst s9;
	s0 =	simm.s32 @!p0 $0x0  }
0x12: {  	s1 =	sld [smem:$0x3F95];
	s0 =	simm.s32 @p0 $0x1  }
0x13: {  	[smem:$0x3FB0] =	sst s0;
	s0 =	simm.s32 @!p1 $0x0  }
0x14: {  	s2 =	sld [smem:$0x3F94];
	s0 =	simm.s32 @p1 $0x1  }
0x15: {  	[smem:$0x3FB1] =	sst s0;
	s0 =	simm.s32 @!p2 $0x0  }
0x16: {  	s3 =	sld [smem:$0x3FDB];
	s0 =	simm.s32 @p2 $0x1  }
0x17: {  	s4 =	simm.s32 $0x1BF5;
	[smem:$0x3FB3] =	sst s0  }
0x18: {  	s0 =	sld [smem:$0x3F96];
	_ =	swait.ge [sflag:s4], $0x0  }
0x19: {  	s7 =	sld [smem:$0x3F97]  }
0x1a: {  	s8 =	sadd.s32 $0xFFFFE003, lr  }
0x1b: {  	s9 =	sadd.s32 $0xFFFFFEF7, lr;
	s5 =	simm.s32 $0xFFFFFFFF;
	p2 =	slt.u32 s8, $0xFFFFF086  }
0x1c: {  	p1 =	slt.u32 s9, $0xF7A;
	s5 =	simm.s32 @!p2 $0x0  }
0x1d: {  	s5 =	simm.s32 @p1 $0x1;
	p0 =	seq.s32 s7, s2  }
0x1e: {  	s7 =	smul.u32 @!p0 $0xF7A, s2;
	p2 =	seq.s32 @!p0 s5, $0x0  }
0x1f: {  	s9 =	smul.u32 $0xF7A, s1;
	s8 =	simm.s32 @!p0 $0x1BF5;
	p2 =	por !p2, p0  }
0x20: {  	[sflag:s8] =	ssyncset.s32 @!p0 $0xFFFFF086;
	s6 =	sadd.s32 @!p0 s3, s7;
	s7 =	simm.s32 @!p0 $0x108  }
0x21: {  	s3 =	sadd.s32 s3, s9;
	s6 =	sadd.s32 @!p0 $0x88, s6;
	s7 =	simm.s32 @p2 $0x1082  }
0x22: {  	[simem:s7], [sflag:s8] =	dma.local @!p0 [hbm:s6], $0xF7A  }
0x23: {  	s9 =	sor.u32 $0xD0000000, s2;
	s6 =	simm.s32 $0x108;
	_ =	swait.ge @!p0 [sflag:s8], $0x0  }
0x24: {  	s3 =	sadd.s32 $0x88, s3;
	s6 =	simm.s32 @!p1 $0x1082;
	[sflag:s4] =	ssyncset.s32 $0xFFFFF086  }
0x25: {  	[simem:s6], [sflag:s4] =	dma.local [hbm:s3], $0xF7A  }
0x26: {  	[smem:$0x3F97] =	sst s1;
	(tag) =	ssettag s2;
	_ =	strace s9  }
0x27: {  	s1 =	sld [smem:$0x3FA7]  }
0x28: {  	s2 =	sld [smem:$0x3FA8]  }
0x29: {  	s4 =	sld [smem:$0x3FAA]  }
0x2a: {  	p0 =	seq.s32 s5, $0x0;
	s5 =	sld [smem:$0x3FAB]  }
0x2b: {  	s6 =	sld [smem:$0x3FAC]  }
0x2c: {  	s7 =	sld [smem:$0x3FAD]  }
0x2d: {  	s3 =	simm.s32 $0x108;
	s8 =	sld [smem:$0x3FAE]  }
0x2e: {  	s3 =	simm.s32 @!p0 $0x1082;
	s9 =	sld [smem:$0x3FAF]  }
0x2f: {  	lr =	sadd.s32 s0, s3;
	s0 =	sld [smem:$0x3FA6]  }
0x30: {  	s3 =	sld [smem:$0x3FA9]  }
0x31: {  	[smem:$0x3FB2] =	sst s10  }
0x32: {  	s10 =	sld [smem:$0x3FB0];
	_ =	sdelay $0x3  }
0x33: {  	p0 =	seq.s32 s10, $0x1;
	s10 =	sld [smem:$0x3FB2];
	_ =	sdelay $0x3  }
0x34: {  	[smem:$0x3FB2] =	sst s10  }
0x35: {  	s10 =	sld [smem:$0x3FB1];
	_ =	sdelay $0x3  }
0x36: {  	p1 =	seq.s32 s10, $0x1;
	s10 =	sld [smem:$0x3FB2];
	_ =	sdelay $0x3  }
0x37: {  	[smem:$0x3FB2] =	sst s10  }
0x38: {  	s10 =	sld [smem:$0x3FB3]  }
0x39: {  	_ = 	snop;
	(pc) =	sbr.ind lr, $3  }
0x3a: {  	_ = 	snop  }
0x3b: {  	_ = 	snop  }
0x3c: {  	p2 =	seq.s32 s10, $0x1;
	s10 =	sld [smem:$0x3FB2]  }
0x3d: {  	_ =	shalt  }
0x3e: {  	_ =	shalt  }
0x3f: {  	_ =	shalt  }
0x40: {  	_ =	shalt  }
0x41: {  	_ =	shalt  }
0x42: {  	_ =	shalt  }
0x43: {  	_ =	shalt  }
0x44: {  	_ =	shalt  }
0x45: {  	_ =	shalt  }
0x46: {  	_ =	shalt  }
0x47: {  	_ =	shalt  }
0x48: {  	_ =	shalt  }
0x49: {  	_ =	shalt  }
0x4a: {  	_ =	shalt  }
0x4b: {  	_ =	shalt  }
0x4c: {  	_ =	shalt  }
0x4d: {  	_ =	shalt  }
0x4e: {  	_ =	shalt  }
0x4f: {  	_ =	shalt  }
0x50: {  	_ =	shalt  }
0x51: {  	_ =	shalt  }
0x52: {  	_ =	shalt  }
0x53: {  	_ =	shalt  }
0x54: {  	_ =	shalt  }
0x55: {  	_ =	shalt  }
0x56: {  	_ =	shalt  }
0x57: {  	_ =	shalt  }
0x58: {  	_ =	shalt  }
0x59: {  	_ =	shalt  }
0x5a: {  	_ =	shalt  }
0x5b: {  	_ =	shalt  }
0x5c: {  	_ =	shalt  }
0x5d: {  	_ =	shalt  }
0x5e: {  	_ =	shalt  }
0x5f: {  	_ =	shalt  }
0x60: {  	_ =	shalt  }
0x61: {  	_ =	shalt  }
0x62: {  	_ =	shalt  }
0x63: {  	_ =	shalt  }
0x64: {  	_ =	shalt  }
0x65: {  	_ =	shalt  }
0x66: {  	_ =	shalt  }
0x67: {  	_ =	shalt  }
0x68: {  	_ =	shalt  }
0x69: {  	_ =	shalt  }
0x6a: {  	_ =	shalt  }
0x6b: {  	_ =	shalt  }
0x6c: {  	_ =	shalt  }
0x6d: {  	_ =	shalt  }
0x6e: {  	_ =	shalt  }
0x6f: {  	_ =	shalt  }
0x70: {  	_ =	shalt  }
0x71: {  	_ =	shalt  }
0x72: {  	_ =	shalt  }
0x73: {  	_ =	shalt  }
0x74: {  	_ =	shalt  }
0x75: {  	_ =	shalt  }
0x76: {  	_ =	shalt  }
0x77: {  	_ =	shalt  }
0x78: {  	_ =	shalt  }
0x79: {  	_ =	shalt  }
0x7a: {  	_ =	shalt  }
0x7b: {  	_ =	shalt  }
0x7c: {  	_ =	shalt  }
0x7d: {  	_ =	shalt  }
0x7e: {  	_ =	shalt  }
0x7f: {  	_ =	shalt  }
0x80: {  	_ =	shalt  }
0x81: {  	_ =	shalt  }
0x82: {  	_ =	shalt  }
0x83: {  	_ =	shalt  }
0x84: {  	_ =	shalt  }
0x85: {  	_ =	shalt  }
0x86: {  	_ =	shalt  }
0x87: {  	_ =	shalt  }
.Lfunc_end0:
.L_simem_size_0:
called_computation.1_lowered:
.L_overlay_start_0:
0x88: {  	s2 =	sld [smem:$0x3FD9]  }
0x89: {  	s3 =	sld [smem:$0x3FFE];
	_ =	sdelay $0x1  }
0x8a: {  	s1 =	srdreg.scid  }
0x8b: {  	s0 =	sand.u32 $0x1, s1  }
0x8c: {  	s17 =	sshll.u32 s0, $0xA;
	s2 =	sadd.s32 s3, s2  }
0x8d: {  	s2 =	sadd.s32 s2, s17  }
0x8e: {  	[smem:$0x3FBE] =	sst s2  }
0x8f: {  	_ = 	snop  }
0x90: {  	s2 =	sld [smem:$0x3FD0];
	(tm) =	ssettm $0x1  }
0x91: {  	s18 =	sld [smem:$0x3FFB];
	_ =	sdelay $0x3  }
0x92: {  	_ =	strace s18  }
0x93: {  	s3 =	sld [smem:$0x3FFC];
	_ =	sdelay $0x3  }
0x94: {  	_ =	strace s3  }
0x95: {  	s3 =	sld [smem:$0x3FFD];
	_ =	sdelay $0x3  }
0x96: {  	_ =	strace s3  }
0x97: {  	_ =	strace $0x8FFFFFFF  }
0x98: {  	s19 =	sld [smem:$0x3FDB];
	_ =	sdelay $0x1  }
0x99: {  	s4 =	simm.s32 $_scs_section_size  }
0x9a: {  	s5 =	simm.s32 $_size__tile_overlayer_lowered;
	s6 =	simm.s32 $_tile_overlayer_lowered  }
0x9b: {  	s22 =	simm.s32 $0x1BFF;
	s21 =	sshll.u32 s6, $0x1;
	s3 =	sadd.s32 s4, s19  }
0x9c: {  	s7 =	simm.s32 $0x0;
	s20 =	sshll.u32 s5, $0x1;
	s5 =	sadd.s32 s21, s3  }
0x9d: {  	[timem:s7], [sflag:s22] =	dma.local [hbm:s5], s20  }
0x9e: {  	_ =	swait.ge [sflag:s22], s20  }
0x9f: {  	s4 =	ssub.s32 $0x0, s20;
	[sflag:s22] =	ssyncset.done $0x0  }
0xa0: {  	[sflag:s22] =	ssyncadd.s32 s4;
	_ =	sdelay $0x1  }
0xa1: {  	s23 =	simm.s32 $0x1B8B  }
0xa2: {  	_ =	swait.ge [sflag:s23], $0x1  }
0xa3: {  	[sflag:s23] =	ssyncset.done $0x0  }
0xa4: {  	s25 =	simm.s32 $0x1B8E;
	s24 =	sld [smem:$0x3FFE];
	[sflag:s23] =	ssyncadd.s32 $0xFFFFFFFF  }
0xa5: {  	s26 =	simm.s32 $execute0_lowered;
	[smem:$0x3FD2] =	sst s25  }
0xa6: {  	s5 =	sshll.u32 s26, $0x1;
	_ =	strace $0x80000049;
	[dreg:$0x1] =	wrdreg $0xFFFFFFFF  }
0xa7: {  	s28 =	simm.s32 $_size_execute0_lowered;
	s3 =	sadd.s32 s3, s5;
	[dreg:$0x0] =	wrdreg $0x0  }
0xa8: {  	s5 =	sshll.u32 s28, $0x1;
	[dreg:$0x2] =	wrdreg s3  }
0xa9: {  	[dreg:$0x3] =	wrdreg s5  }
0xaa: {  	[dreg:$0x4] =	wrdreg $0xC0  }
0xab: {  	_ =	task [dreg:s7], $0x5FFFF  }
0xac: {  	[dreg:$0x1] =	wrdreg $0xFFFFFFFF  }
0xad: {  	[dreg:$0x0] =	wrdreg $0x60  }
0xae: {  	[dreg:$0x2] =	wrdreg s24  }
0xaf: {  	[dreg:$0x3] =	wrdreg s2  }
0xb0: {  	[dreg:$0x4] =	wrdreg $0x0  }
0xb1: {  	[dreg:$0x5] =	wrdreg $0x9  }
0xb2: {  	_ =	task.clear_ibuf [dreg:s7], $0x6FFFF;
	_ =	strace $0x90000049  }
0xb3: {  	s29 =	simm.s32 $0x9;
	_ =	strace $0x8000004B  }
0xb4: {  	_ =	swait.ge [sflag:s29], $0x1  }
0xb5: {  	[sflag:s29] =	ssyncadd.s32 $0xFFFFFFFF  }
0xb6: {  	_ =	strace $0x9000004B  }
0xb7: {  	_ =	sfence  }
0xb8: {  	s30 =	sld [smem:$0x0];
	_ =	sdelay $0x2  }
0xb9: {  	s31 =	sshll.u32 s1, $0xD;
	s1 =	sshrl.u32 s1, $0x2  }
0xba: {  	s3 =	sand.u32 $0x4000, s31;
	s1 =	sadd.s32 s1, s30  }
0xbb: {  	s0 =	sor.u32 s3, s0;
	s1 =	sshll.u32 s1, $0x11  }
0xbc: {  	s0 =	sor.u32 s1, s0  }
0xbd: {  	s0 =	sadd.s32 $0x8F2B, s0  }
0xbe: {  	[sflag:s0] =	ssyncadd.remote.s32 $0x1  }
0xbf: {  	_ =	sfence.sel $0xFFFF  }
0xc0: {  	[dreg:$0x0] =	wrdreg $0xFFFFFFFF;
	(pc) =	sbr.abs _section_cstart, $3  }
0xc1: {  	[dreg:$0x1] =	wrdreg $0xFFFFFFFF  }
0xc2: {  	_ =	task.clear_ibuf [dreg:s7], $0x2FFFF;
	_ =	strace $0x9FFFFFFF  }
0xc3: {  	(tm) =	ssettm $0x7FFFFFFF  }
tec
execute0_lowered:
.L_overlay_start_1:
0x0: {  	(tag) =	ssettag $0x1  }
0x1: {  	s7 =	rddreg [dreg:$0x0]  }
0x2: {  	s8 =	rddreg [dreg:$0x1]  }
0x3: {  	s2 =	rddreg [dreg:$0x2];
	s1 =	stileid.u32  }
0x4: {  	s0 =	rddreg [dreg:$0x3];
	s3 =	simm.s32 $0x0;
	s10 =	smul.u32 $0x4E200, s1  }
0x5: {  	s4 =	srdreg.scid;
	s18 =	simm.s32 $0x19C80;
	s13 =	smul.u32 $0x13880, s1  }
0x6: {  	s19 =	simm.s32 $0xC8;
	s9 =	sand.u32 $0x1, s4;
	s17 =	smul.u32 $0x4E20, s1  }
0x7: {  	s21 =	simm.s32 $0x0;
	[smem:$0x7FF] =	sst s3;
	s11 =	smul.u32 $0x138800, s9  }
0x8: {  	s26 =	sshll.u32 s1, $0x1;
	s4 =	sadd.s32 $0x2800, s7;
	s29 =	smul.u32 $0x2710, s9  }
0x9: {  	s5 =	sadd.s32 $0xC600, s7;
	s14 =	sor.u32 s9, s26;
	s30 =	smul.u32 $0x27100, s9  }
0xa: {  	_ =	strace $0x8000004A;
	s15 =	ssub.s32 $0x2, s9;
	s6 =	smul.u32 $0x2710, s14  }
0xb: {  	s12 =	sadd.s32 s10, s7;
	s14 =	smul.u32 $0x500, s14;
	s16 =	sshrl.u32 s15, $0x1  }
0xc: {  	s20 =	sadd.s32 s13, s2;
	s10 =	sshrl.u32 s10, $0x2;
	s11 =	sadd.s32 s13, s11  }
0xd: {  	s28 =	ssub.s32 s15, s16;
	s31 =	sadd.s32 s29, s17;
	s12 =	sadd.s32 s30, s12  }
0xe: {  	s10 =	sadd.s32 s10, s2;
	s13 =	simm.s32 $0x13880;
	s15 =	simm.s32 $0x1C548  }
0xf: {  	s16 =	simm.s32 $0x1CD18;
	s17 =	simm.s32 $0x19D48;
	s20 =	sshrl.u32 s20, $0x3  }
0x10: {  	s11 =	sshrl.u32 s11, $0x3;
	s8 =	sadd.s32 s8, s14;
	s9 =	smax.u32 s28, $0x1  }
0x11: {  	s12 =	sadd.s32 $0x11A7600, s12;
	s7 =	sadd.s32 s11, s7;
	s11 =	sshrl.u32 s31, $0x3  }
0x12: {  	v0 =	vimm.f32 $0.0e+00;
	s14 =	simm.s32 $0x1;
	s7 =	sadd.s32 $0x16400, s7;
	s11 =	sadd.s32 s11, s5  }
.LBB2_1:
0x13: {  	s22 =	simm.s32 $0x40;
	s23 =	simm.s32 $0x0  }
.LBB2_2:
0x14: {  	p0 =	sne.s32 s22, $0x9FC0;
	[tilespmem:s23+$0x19D48] =	vst v0;
	s23 =	smov.u32 s22;
	s22 =	sadd.s32 $0x40, s22  }
.Ltmp0:
0x15: {  	(pc) =	sbr.rel @p0 .LBB2_2-.Ltmp0, $2  }
0x16: {  	_ =	sdelay $0x2  }
0x17: {  	s23 =	sshra.s32 s23, $0x2  }
0x18: {  	[tilespmem:s23+$0x19D48] =	vst v0;
	s22 =	simm.s32 $0x0;
	s23 =	simm.s32 $0x200  }
.LBB2_4:
0x19: {  	p0 =	sne.s32 s23, $0x3000;
	[tilespmem:s22+$0x138F0] =	vst v0  }
0x1a: {  	[tilespmem:s22+$0x13880] =	vst v0  }
0x1b: {  	[tilespmem:s22+$0x13890] =	vst v0  }
.Ltmp1:
0x1c: {  	[tilespmem:s22+$0x138A0] =	vst v0;
	(pc) =	sbr.rel @p0 .LBB2_4-.Ltmp1, $4  }
0x1d: {  	[tilespmem:s22+$0x138B0] =	vst v0  }
0x1e: {  	[tilespmem:s22+$0x138C0] =	vst v0  }
0x1f: {  	[tilespmem:s22+$0x138D0] =	vst v0  }
0x20: {  	[tilespmem:s22+$0x138E0] =	vst v0;
	s22 =	sshra.s32 s23, $0x2;
	s23 =	sadd.s32 $0x200, s23  }
0x21: {  	[tilespmem:s22+$0x138F0] =	vst v0  }
0x22: {  	[tilespmem:s22+$0x13880] =	vst v0  }
0x23: {  	[tilespmem:s22+$0x13890] =	vst v0  }
0x24: {  	[tilespmem:s22+$0x138A0] =	vst v0  }
0x25: {  	[tilespmem:s22+$0x138B0] =	vst v0  }
0x26: {  	[tilespmem:s22+$0x138C0] =	vst v0  }
0x27: {  	[tilespmem:s22+$0x138D0] =	vst v0  }
0x28: {  	[tilespmem:s22+$0x138E0] =	vst v0;
	s31 =	sadd.s32 $0x0, s10  }
0x29: {  	[spmem:s31] =	stream.linear.scatter [tilespmem:s13], [sflag:$0x1], $0xC80, $0x38;
	[tilespmem:$0x1D4E8] =	vst v63  }
0x2a: {  	s22 =	simm.s32 $0x3200;
	_ =	swait.ge [sflag:s14], $0xC80  }
.LBB2_6:
0x2b: {  	s23 =	sshra.s32 s22, $0x2;
	[sflag:s14] =	ssyncset.done $0x0;
	p0 =	sne.s32 s22, $0x4B000  }
.Ltmp2:
0x2c: {  	s23 =	sadd.s32 s23, s10;
	[sflag:s14] =	ssyncadd.s32 $0xFFFFF380;
	(pc) =	sbr.rel @p0 .LBB2_6-.Ltmp2, $3  }
0x2d: {  	[spmem:s23] =	stream.linear.scatter [tilespmem:s13], [sflag:$0x1], $0xC80, $0x38;
	[tilespmem:$0x1D4E8] =	vst v63  }
0x2e: {  	s22 =	sadd.s32 $0x3200, s22;
	_ =	sdelay $0x1  }
0x2f: {  	_ =	swait.ge [sflag:s14], $0xC80  }
0x30: {  	[sflag:s14] =	ssyncset.done $0x0  }
0x31: {  	[sflag:s14] =	ssyncadd.s32 $0xFFFFF380  }
0x32: {  	s22 =	simm.s32 $0x0;
	s23 =	simm.s32 $0x0;
	[bflag:$0x0] =	sbarrier.arrive $0xFFFF  }
.LBB2_8:
0x33: {  	s24 =	smul.u32 $0x7D0, s23;
	_ =	sdelay $0x1  }
0x34: {  	s24 =	sadd.s32 s6, s24  }
0x35: {  	s24 =	sshrl.u32 s24, $0x3  }
0x36: {  	s25 =	sadd.s32 s4, s24  }
0x37: {  	[tilespmem:s15], [sflag:$0x1] =	stream.linear.gather [hbm4b:s25+s22], $0x7D0, $0x38;
	[tilespmem:$0x1D4E8] =	vst v63  }
0x38: {  	_ =	swait.ge [sflag:s14], $0x7D0  }
0x39: {  	[sflag:s14] =	ssyncset.done $0x0  }
0x3a: {  	s24 =	sadd.s32 s5, s24;
	[sflag:s14] =	ssyncadd.s32 $0xFFFFF830  }
0x3b: {  	[tilespmem:s16], [sflag:$0x1] =	stream.linear.gather [hbm4b:s24+s22], $0x7D0, $0x38;
	[tilespmem:$0x1D4E8] =	vst v63  }
0x3c: {  	_ =	swait.ge [sflag:s14], $0x7D0  }
0x3d: {  	[sflag:s14] =	ssyncset.done $0x0  }
0x3e: {  	s25 =	simm.s32 $0x0;
	s24 =	simm.s32 $0x40;
	[sflag:s14] =	ssyncadd.s32 $0xFFFFF830  }
.LBB2_9:
0x3f: {  	p0 =	sne.s32 s24, $0x1F00;
	v1 =	vld [tilespmem:s25+$0x1CD18]  }
0x40: {  	v2 =	vld [tilespmem:s25+$0x1C548];
	_ =	sdelay $0x2  }
.Ltmp3:
0x41: {  	(pc) =	sbr.rel @p0 .LBB2_9-.Ltmp3, $3  }
0x42: {  	_ = 	snop  }
0x43: {  	v2 =	vmul.f32 v2, v2;
	_ =	sdelay $0x1  }
0x44: {  	s25 =	sshra.s32 s24, $0x2;
	s24 =	sadd.s32 $0x40, s24;
	[tilespmem:v1+s17+$0x0] =	vst.idx.add.f32.msk $0xffff, v2  }
0x45: {  	v1 =	vld [tilespmem:s25+$0x1CD18]  }
0x46: {  	v2 =	vld [tilespmem:s25+$0x1C548]  }
0x47: {  	s23 =	sadd.s32 $0x1, s23  }
0x48: {  	p0 =	sne.s32 s23, $0x5  }
.Ltmp4:
0x49: {  	_ = 	snop;
	(pc) =	sbr.rel @p0 .LBB2_8-.Ltmp4, $3  }
0x4a: {  	_ = 	snop  }
0x4b: {  	v2 =	vmul.f32 v2, v2;
	_ =	sdelay $0x1  }
0x4c: {  	[tilespmem:v1+s17+$0x0] =	vst.idx.add.f32.msk $0xffff, v2  }
0x4d: {  	[tilespmem:s13], [sflag:$0x1] =	stream.linear.gather [hbm4b:s12+s3], $0x6400, $0x38;
	[tilespmem:$0x1D4E8] =	vst v63  }
0x4e: {  	_ =	swait.ge [sflag:s14], $0x6400  }
0x4f: {  	[sflag:s14] =	ssyncset.done $0x0  }
0x50: {  	s22 =	sadd.s32 $0x0, s11;
	[sflag:s14] =	ssyncadd.s32 $0xFFFF9C00  }
0x51: {  	[tilespmem:s18], [sflag:$0x1] =	stream.linear.gather [hbm4b:s22+s3], $0xC8, $0x38;
	[tilespmem:$0x1D4E8] =	vst v63  }
0x52: {  	_ =	swait.ge [sflag:s14], $0xC8  }
0x53: {  	[sflag:s14] =	ssyncset.done $0x0  }
0x54: {  	[sflag:s14] =	ssyncadd.s32 $0xFFFFFF38  }
0x55: {  	[spmem:s2] =	stream.indirect.scatter.add.f32 [tilespmem:s13], [sflag:$0x1], $0x80, s18, s19, $0xb8;
	[tilespmem:$0x1D4E8] =	vst v63  }
0x56: {  	_ =	swait.ge [sflag:s14], $0x6400  }
0x57: {  	s23 =	smov.u32 s12;
	s22 =	simm.s32 $0x19;
	[sflag:s14] =	ssyncset.done $0x0  }
.LBB2_12:
0x58: {  	p0 =	sne.s32 s22, $0x4C9;
	[sflag:s14] =	ssyncadd.s32 $0xFFFF9C00;
	s23 =	sadd.s32 $0xC80, s23  }
0x59: {  	[tilespmem:s13], [sflag:$0x1] =	stream.linear.gather [hbm4b:s23+s3], $0x6400, $0x38;
	[tilespmem:$0x1D4E8] =	vst v63  }
0x5a: {  	s24 =	smov.u32 s22;
	s22 =	sadd.s32 $0x19, s22;
	_ =	swait.ge [sflag:s14], $0x6400  }
0x5b: {  	[sflag:s14] =	ssyncset.done $0x0  }
0x5c: {  	s24 =	sadd.s32 s24, s11;
	[sflag:s14] =	ssyncadd.s32 $0xFFFF9C00  }
0x5d: {  	[tilespmem:s18], [sflag:$0x1] =	stream.linear.gather [hbm4b:s24+s3], $0xC8, $0x38;
	[tilespmem:$0x1D4E8] =	vst v63  }
0x5e: {  	_ =	swait.ge [sflag:s14], $0xC8  }
.Ltmp5:
0x5f: {  	[sflag:s14] =	ssyncset.done $0x0;
	(pc) =	sbr.rel @p0 .LBB2_12-.Ltmp5, $4  }
0x60: {  	[sflag:s14] =	ssyncadd.s32 $0xFFFFFF38  }
0x61: {  	[spmem:s2] =	stream.indirect.scatter.add.f32 [tilespmem:s13], [sflag:$0x1], $0x80, s18, s19, $0xb8;
	[tilespmem:$0x1D4E8] =	vst v63  }
0x62: {  	_ =	swait.ge [sflag:s14], $0x6400  }
0x63: {  	[sflag:s14] =	ssyncset.done $0x0  }
0x64: {  	[sflag:s14] =	ssyncadd.s32 $0xFFFF9C00;
	s22 =	sshll.u32 s1, $0x6  }
0x65: {  	[bflag:$0x0] =	sbarrier.arrive $0xFFFF;
	s22 =	sor.u32 $0x1C01, s22  }
0x66: {  	[hbm:s7], [sflag:s22] =	dma.local [spmem:s20], $0x2710  }
0x67: {  	s21 =	sadd.s32 $0x1, s21;
	_ =	swait.ge [sflag:s14], $0x2710  }
0x68: {  	p0 =	sne.s32 s21, s9;
	[sflag:s14] =	ssyncset.done $0x0  }
.Ltmp6:
0x69: {  	[sflag:s14] =	ssyncadd.s32 $0xFFFFD8F0;
	(pc) =	sbr.rel @p0 .LBB2_1-.Ltmp6, $4  }
0x6a: {  	[hbm4b:s8+s3] =	stream.linear.scatter [tilespmem:s17], [sflag:$0x1], $0x2800, $0x38;
	[tilespmem:$0x1D4E8] =	vst v63  }
0x6b: {  	_ =	swait.ge [sflag:s14], $0x2800  }
0x6c: {  	[sflag:s14] =	ssyncset.done $0x0  }
0x6d: {  	[sflag:s14] =	ssyncadd.s32 $0xFFFFD800  }
0x6e: {  	_ =	sfence.sel $0x180000  }
0x6f: {  	[bflag:$0x0] =	sbarrier.arrive $0xFFFF  }
0x70: {  	p0 =	sne.s32 s1, $0x0;
	_ =	strace $0x9000004A  }
0x71: {  	s0 =	sadd.s32 @!p0 $0x100000, s0;
	[bflag:$0x2] =	sbarrier.arrive $0xFFFF  }
0x72: {  	[sflag:s0] =	ssyncadd.tile.s32 @!p0 $0x1;
	_ =	shalt  }
.Lfunc_end2:
_tile_overlayer_lowered:
.L_overlay_start_2:
0x73: {  	(tag) =	ssettag $0x2  }
0x74: {  	s0 =	rddreg [dreg:$0x0];
	s2 =	stileid.u32  }
0x75: {  	s1 =	rddreg [dreg:$0x1];
	p0 =	sne.s32 s2, $0x0  }
0x76: {  	s3 =	rddreg [dreg:$0x2];
	[bflag:$0x3] =	sbarrier.arrive $0xFFFF;
	s2 =	simm.s32 @!p0 $0x1C01  }
0x77: {  	[timem:s3], [sflag:s2] =	dma.local @!p0 [hbm:s0], s1  }
0x78: {  	s0 =	simm.s32 @!p0 $0x1  }
0x79: {  	_ =	swait.ge @!p0 [sflag:s0], s1  }
0x7a: {  	s1 =	ssub.s32 @!p0 $0x0, s1;
	[sflag:s0] =	ssyncset.done @!p0 $0x0  }
0x7b: {  	[sflag:s0] =	ssyncadd.s32 @!p0 s1  }
0x7c: {  	[bflag:$0x3] =	sbarrier.arrive $0xFFFF  }
0x7d: {  	_ =	shalt  }

// kernel: kernel.7.cloned.1.call-start
scs
__scs_entry_jumppad:
0x0: {  	(pc) =	sbr.rel $0x88, $3  }
0x1: {  	(tag) =	ssettag $0x0;
	lr =	simm.s32 $0x1  }
0x2: {  	[smem:$0x3F97] =	sst lr;
	_ =	strace $0xD0000000  }
0x3: {  	_ = 	snop  }
0x4: {  	_ = 	snop  }
0x5: {  	_ = 	snop  }
0x6: {  	_ = 	snop  }
0x7: {  	_ = 	snop  }
__scs_overlays_trampoline_lowered:
0x8: {  	[smem:$0x3FA6] =	sst s0  }
0x9: {  	[smem:$0x3FA7] =	sst s1  }
0xa: {  	[smem:$0x3FA8] =	sst s2  }
0xb: {  	[smem:$0x3FA9] =	sst s3  }
0xc: {  	[smem:$0x3FAA] =	sst s4  }
0xd: {  	[smem:$0x3FAB] =	sst s5  }
0xe: {  	[smem:$0x3FAC] =	sst s6  }
0xf: {  	[smem:$0x3FAD] =	sst s7  }
0x10: {  	[smem:$0x3FAE] =	sst s8  }
0x11: {  	[smem:$0x3FAF] =	sst s9;
	s0 =	simm.s32 @!p0 $0x0  }
0x12: {  	s1 =	sld [smem:$0x3F95];
	s0 =	simm.s32 @p0 $0x1  }
0x13: {  	[smem:$0x3FB0] =	sst s0;
	s0 =	simm.s32 @!p1 $0x0  }
0x14: {  	s2 =	sld [smem:$0x3F94];
	s0 =	simm.s32 @p1 $0x1  }
0x15: {  	[smem:$0x3FB1] =	sst s0;
	s0 =	simm.s32 @!p2 $0x0  }
0x16: {  	s3 =	sld [smem:$0x3FDB];
	s0 =	simm.s32 @p2 $0x1  }
0x17: {  	s4 =	simm.s32 $0x1BF5;
	[smem:$0x3FB3] =	sst s0  }
0x18: {  	s0 =	sld [smem:$0x3F96];
	_ =	swait.ge [sflag:s4], $0x0  }
0x19: {  	s7 =	sld [smem:$0x3F97]  }
0x1a: {  	s8 =	sadd.s32 $0xFFFFE003, lr  }
0x1b: {  	s9 =	sadd.s32 $0xFFFFFEF7, lr;
	s5 =	simm.s32 $0xFFFFFFFF;
	p2 =	slt.u32 s8, $0xFFFFF086  }
0x1c: {  	p1 =	slt.u32 s9, $0xF7A;
	s5 =	simm.s32 @!p2 $0x0  }
0x1d: {  	s5 =	simm.s32 @p1 $0x1;
	p0 =	seq.s32 s7, s2  }
0x1e: {  	s7 =	smul.u32 @!p0 $0xF7A, s2;
	p2 =	seq.s32 @!p0 s5, $0x0  }
0x1f: {  	s9 =	smul.u32 $0xF7A, s1;
	s8 =	simm.s32 @!p0 $0x1BF5;
	p2 =	por !p2, p0  }
0x20: {  	[sflag:s8] =	ssyncset.s32 @!p0 $0xFFFFF086;
	s6 =	sadd.s32 @!p0 s3, s7;
	s7 =	simm.s32 @!p0 $0x108  }
0x21: {  	s3 =	sadd.s32 s3, s9;
	s6 =	sadd.s32 @!p0 $0x88, s6;
	s7 =	simm.s32 @p2 $0x1082  }
0x22: {  	[simem:s7], [sflag:s8] =	dma.local @!p0 [hbm:s6], $0xF7A  }
0x23: {  	s9 =	sor.u32 $0xD0000000, s2;
	s6 =	simm.s32 $0x108;
	_ =	swait.ge @!p0 [sflag:s8], $0x0  }
0x24: {  	s3 =	sadd.s32 $0x88, s3;
	s6 =	simm.s32 @!p1 $0x1082;
	[sflag:s4] =	ssyncset.s32 $0xFFFFF086  }
0x25: {  	[simem:s6], [sflag:s4] =	dma.local [hbm:s3], $0xF7A  }
0x26: {  	[smem:$0x3F97] =	sst s1;
	(tag) =	ssettag s2;
	_ =	strace s9  }
0x27: {  	s1 =	sld [smem:$0x3FA7]  }
0x28: {  	s2 =	sld [smem:$0x3FA8]  }
0x29: {  	s4 =	sld [smem:$0x3FAA]  }
0x2a: {  	p0 =	seq.s32 s5, $0x0;
	s5 =	sld [smem:$0x3FAB]  }
0x2b: {  	s6 =	sld [smem:$0x3FAC]  }
0x2c: {  	s7 =	sld [smem:$0x3FAD]  }
0x2d: {  	s3 =	simm.s32 $0x108;
	s8 =	sld [smem:$0x3FAE]  }
0x2e: {  	s3 =	simm.s32 @!p0 $0x1082;
	s9 =	sld [smem:$0x3FAF]  }
0x2f: {  	lr =	sadd.s32 s0, s3;
	s0 =	sld [smem:$0x3FA6]  }
0x30: {  	s3 =	sld [smem:$0x3FA9]  }
0x31: {  	[smem:$0x3FB2] =	sst s10  }
0x32: {  	s10 =	sld [smem:$0x3FB0];
	_ =	sdelay $0x3  }
0x33: {  	p0 =	seq.s32 s10, $0x1;
	s10 =	sld [smem:$0x3FB2];
	_ =	sdelay $0x3  }
0x34: {  	[smem:$0x3FB2] =	sst s10  }
0x35: {  	s10 =	sld [smem:$0x3FB1];
	_ =	sdelay $0x3  }
0x36: {  	p1 =	seq.s32 s10, $0x1;
	s10 =	sld [smem:$0x3FB2];
	_ =	sdelay $0x3  }
0x37: {  	[smem:$0x3FB2] =	sst s10  }
0x38: {  	s10 =	sld [smem:$0x3FB3]  }
0x39: {  	_ = 	snop;
	(pc) =	sbr.ind lr, $3  }
0x3a: {  	_ = 	snop  }
0x3b: {  	_ = 	snop  }
0x3c: {  	p2 =	seq.s32 s10, $0x1;
	s10 =	sld [smem:$0x3FB2]  }
0x3d: {  	_ =	shalt  }
0x3e: {  	_ =	shalt  }
0x3f: {  	_ =	shalt  }
0x40: {  	_ =	shalt  }
0x41: {  	_ =	shalt  }
0x42: {  	_ =	shalt  }
0x43: {  	_ =	shalt  }
0x44: {  	_ =	shalt  }
0x45: {  	_ =	shalt  }
0x46: {  	_ =	shalt  }
0x47: {  	_ =	shalt  }
0x48: {  	_ =	shalt  }
0x49: {  	_ =	shalt  }
0x4a: {  	_ =	shalt  }
0x4b: {  	_ =	shalt  }
0x4c: {  	_ =	shalt  }
0x4d: {  	_ =	shalt  }
0x4e: {  	_ =	shalt  }
0x4f: {  	_ =	shalt  }
0x50: {  	_ =	shalt  }
0x51: {  	_ =	shalt  }
0x52: {  	_ =	shalt  }
0x53: {  	_ =	shalt  }
0x54: {  	_ =	shalt  }
0x55: {  	_ =	shalt  }
0x56: {  	_ =	shalt  }
0x57: {  	_ =	shalt  }
0x58: {  	_ =	shalt  }
0x59: {  	_ =	shalt  }
0x5a: {  	_ =	shalt  }
0x5b: {  	_ =	shalt  }
0x5c: {  	_ =	shalt  }
0x5d: {  	_ =	shalt  }
0x5e: {  	_ =	shalt  }
0x5f: {  	_ =	shalt  }
0x60: {  	_ =	shalt  }
0x61: {  	_ =	shalt  }
0x62: {  	_ =	shalt  }
0x63: {  	_ =	shalt  }
0x64: {  	_ =	shalt  }
0x65: {  	_ =	shalt  }
0x66: {  	_ =	shalt  }
0x67: {  	_ =	shalt  }
0x68: {  	_ =	shalt  }
0x69: {  	_ =	shalt  }
0x6a: {  	_ =	shalt  }
0x6b: {  	_ =	shalt  }
0x6c: {  	_ =	shalt  }
0x6d: {  	_ =	shalt  }
0x6e: {  	_ =	shalt  }
0x6f: {  	_ =	shalt  }
0x70: {  	_ =	shalt  }
0x71: {  	_ =	shalt  }
0x72: {  	_ =	shalt  }
0x73: {  	_ =	shalt  }
0x74: {  	_ =	shalt  }
0x75: {  	_ =	shalt  }
0x76: {  	_ =	shalt  }
0x77: {  	_ =	shalt  }
0x78: {  	_ =	shalt  }
0x79: {  	_ =	shalt  }
0x7a: {  	_ =	shalt  }
0x7b: {  	_ =	shalt  }
0x7c: {  	_ =	shalt  }
0x7d: {  	_ =	shalt  }
0x7e: {  	_ =	shalt  }
0x7f: {  	_ =	shalt  }
0x80: {  	_ =	shalt  }
0x81: {  	_ =	shalt  }
0x82: {  	_ =	shalt  }
0x83: {  	_ =	shalt  }
0x84: {  	_ =	shalt  }
0x85: {  	_ =	shalt  }
0x86: {  	_ =	shalt  }
0x87: {  	_ =	shalt  }
.Lfunc_end0:
.L_simem_size_0:
called_computation_lowered:
.L_overlay_start_0:
0x88: {  	s2 =	sld [smem:$0x3FD9]  }
0x89: {  	s3 =	sld [smem:$0x3FFE];
	_ =	sdelay $0x1  }
0x8a: {  	s1 =	srdreg.scid  }
0x8b: {  	s0 =	sand.u32 $0x1, s1  }
0x8c: {  	s17 =	sshll.u32 s0, $0xA;
	s2 =	sadd.s32 s3, s2  }
0x8d: {  	s2 =	sadd.s32 s2, s17  }
0x8e: {  	[smem:$0x3FBE] =	sst s2  }
0x8f: {  	_ = 	snop  }
0x90: {  	s2 =	sld [smem:$0x3FD0];
	(tm) =	ssettm $0x1  }
0x91: {  	s18 =	sld [smem:$0x3FFB];
	_ =	sdelay $0x3  }
0x92: {  	_ =	strace s18  }
0x93: {  	s3 =	sld [smem:$0x3FFC];
	_ =	sdelay $0x3  }
0x94: {  	_ =	strace s3  }
0x95: {  	s3 =	sld [smem:$0x3FFD];
	_ =	sdelay $0x3  }
0x96: {  	_ =	strace s3  }
0x97: {  	_ =	strace $0x8FFFFFFF  }
0x98: {  	s19 =	sld [smem:$0x3FDB];
	_ =	sdelay $0x1  }
0x99: {  	s4 =	simm.s32 $_scs_section_size  }
0x9a: {  	s5 =	simm.s32 $_size__tile_overlayer_lowered;
	s6 =	simm.s32 $_tile_overlayer_lowered  }
0x9b: {  	s22 =	simm.s32 $0x1BFF;
	s21 =	sshll.u32 s6, $0x1;
	s3 =	sadd.s32 s4, s19  }
0x9c: {  	s7 =	simm.s32 $0x0;
	s20 =	sshll.u32 s5, $0x1;
	s5 =	sadd.s32 s21, s3  }
0x9d: {  	[timem:s7], [sflag:s22] =	dma.local [hbm:s5], s20  }
0x9e: {  	_ =	swait.ge [sflag:s22], s20  }
0x9f: {  	s4 =	ssub.s32 $0x0, s20;
	[sflag:s22] =	ssyncset.done $0x0  }
0xa0: {  	[sflag:s22] =	ssyncadd.s32 s4;
	_ =	sdelay $0x1  }
0xa1: {  	s23 =	simm.s32 $0x1B8B  }
0xa2: {  	_ =	swait.ge [sflag:s23], $0x1  }
0xa3: {  	[sflag:s23] =	ssyncset.done $0x0  }
0xa4: {  	s25 =	simm.s32 $0x1B8E;
	s24 =	sld [smem:$0x3FFE];
	[sflag:s23] =	ssyncadd.s32 $0xFFFFFFFF  }
0xa5: {  	s26 =	simm.s32 $execute0_lowered;
	[smem:$0x3FD2] =	sst s25  }
0xa6: {  	s5 =	sshll.u32 s26, $0x1;
	_ =	strace $0x80000046;
	[dreg:$0x1] =	wrdreg $0xFFFFFFFF  }
0xa7: {  	s28 =	simm.s32 $_size_execute0_lowered;
	s3 =	sadd.s32 s3, s5;
	[dreg:$0x0] =	wrdreg $0x0  }
0xa8: {  	s5 =	sshll.u32 s28, $0x1;
	[dreg:$0x2] =	wrdreg s3  }
0xa9: {  	[dreg:$0x3] =	wrdreg s5  }
0xaa: {  	[dreg:$0x4] =	wrdreg $0xC0  }
0xab: {  	_ =	task [dreg:s7], $0x5FFFF  }
0xac: {  	[dreg:$0x1] =	wrdreg $0xFFFFFFFF  }
0xad: {  	[dreg:$0x0] =	wrdreg $0x60  }
0xae: {  	[dreg:$0x2] =	wrdreg s24  }
0xaf: {  	[dreg:$0x3] =	wrdreg s2  }
0xb0: {  	[dreg:$0x4] =	wrdreg $0x9  }
0xb1: {  	_ =	task.clear_ibuf [dreg:s7], $0x5FFFF;
	_ =	strace $0x90000046  }
0xb2: {  	s29 =	simm.s32 $0x9;
	_ =	strace $0x80000048  }
0xb3: {  	_ =	swait.ge [sflag:s29], $0x1  }
0xb4: {  	[sflag:s29] =	ssyncadd.s32 $0xFFFFFFFF  }
0xb5: {  	_ =	strace $0x90000048  }
0xb6: {  	_ =	sfence  }
0xb7: {  	s30 =	sld [smem:$0x0];
	_ =	sdelay $0x2  }
0xb8: {  	s31 =	sshll.u32 s1, $0xD;
	s1 =	sshrl.u32 s1, $0x2  }
0xb9: {  	s3 =	sand.u32 $0x4000, s31;
	s1 =	sadd.s32 s1, s30  }
0xba: {  	s0 =	sor.u32 s3, s0;
	s1 =	sshll.u32 s1, $0x11  }
0xbb: {  	s0 =	sor.u32 s1, s0  }
0xbc: {  	s0 =	sadd.s32 $0x8F2B, s0  }
0xbd: {  	[sflag:s0] =	ssyncadd.remote.s32 $0x1  }
0xbe: {  	_ =	sfence.sel $0xFFFF  }
0xbf: {  	[dreg:$0x0] =	wrdreg $0xFFFFFFFF;
	(pc) =	sbr.abs _section_cstart, $3  }
0xc0: {  	[dreg:$0x1] =	wrdreg $0xFFFFFFFF  }
0xc1: {  	_ =	task.clear_ibuf [dreg:s7], $0x2FFFF;
	_ =	strace $0x9FFFFFFF  }
0xc2: {  	(tm) =	ssettm $0x7FFFFFFF  }
0xc3: {  	_ =	shalt  }
tec
execute0_lowered:
.L_overlay_start_1:
0x0: {  	(tag) =	ssettag $0x1  }
0x1: {  	s0 =	rddreg [dreg:$0x0]  }
0x2: {  	s2 =	rddreg [dreg:$0x1]  }
0x3: {  	s3 =	simm.s32 $0x0;
	s1 =	srdreg.scid;
	s17 =	stileid.u32  }
0x4: {  	s28 =	simm.s32 $0x10810;
	s29 =	simm.s32 $0x2;
	s18 =	smul.u32 $0x1D4C0, s17  }
0x5: {  	s30 =	simm.s32 $0x3;
	s31 =	simm.s32 $0x0;
	s20 =	smul.u32 $0x4E20, s17  }
0x6: {  	[smem:$0x7FF] =	sst s3;
	s1 =	sand.u32 $0x1, s1;
	s23 =	smul.u32 $0x57E40, s17  }
0x7: {  	s5 =	sshll.u32 s17, $0x1;
	s4 =	sadd.s32 $0x64600, s0;
	s22 =	smul.u32 $0x2710, s1  }
0x8: {  	s6 =	sadd.s32 $0xC600, s0;
	s7 =	sor.u32 s1, s5;
	s24 =	smul.u32 $0x2BF20, s1  }
0x9: {  	s9 =	sadd.s32 $0x90600, s0;
	_ =	strace $0x80000047;
	s8 =	smul.u32 $0x2710, s7  }
0xa: {  	s5 =	sadd.s32 $0x2800, s0;
	s11 =	ssub.s32 $0x2, s1;
	s10 =	smul.u32 $0x2BF20, s7  }
0xb: {  	s0 =	sadd.s32 $0x60EA00, s0;
	s7 =	smul.u32 $0xEA60, s7;
	s13 =	sshrl.u32 s11, $0x1  }
0xc: {  	s15 =	ssub.s32 s11, s13;
	s12 =	sadd.s32 $0xC8, s8;
	s13 =	sadd.s32 s9, s10  }
0xd: {  	s8 =	sshrl.u32 s8, $0x3;
	s7 =	sadd.s32 s0, s7;
	[dreg:$0x5] =	wrdreg s13  }
0xe: {  	s1 =	smul.u32 $0xEA60, s1;
	s26 =	sadd.s32 s5, s8;
	[dreg:$0x6] =	wrdreg s7  }
0xf: {  	s8 =	sadd.s32 s6, s8;
	s19 =	sshrl.u32 s12, $0x3;
	[dreg:$0x3] =	wrdreg s26  }
0x10: {  	s14 =	smul.u32 $0x12, s12;
	[dreg:$0x4] =	wrdreg s8;
	s21 =	sadd.s32 s5, s19  }
0x11: {  	s16 =	smul.u32 $0x6, s12;
	s7 =	sadd.s32 s6, s19;
	[dreg:$0x7] =	wrdreg s21  }
0x12: {  	s15 =	smax.u32 s15, $0x1;
	[dreg:$0x8] =	wrdreg s7;
	s13 =	sadd.s32 s9, s14  }
0x13: {  	s14 =	sadd.s32 s0, s16;
	s7 =	sadd.s32 s22, s20;
	s9 =	sadd.s32 s23, s9  }
0x14: {  	s0 =	sadd.s32 s18, s0;
	s21 =	simm.s32 $0x4;
	s22 =	simm.s32 $0xC8  }
0x15: {  	s23 =	simm.s32 $0x190;
	s10 =	sadd.s32 $0x258, s7;
	s25 =	sadd.s32 s24, s9  }
0x16: {  	s16 =	sadd.s32 s1, s0;
	s20 =	sadd.s32 $0x190, s7;
	s24 =	simm.s32 $0x1  }
0x17: {  	s26 =	sshrl.u32 s10, $0x3;
	s17 =	sadd.s32 $0x2A30, s25;
	s25 =	simm.s32 $0xE290  }
0x18: {  	s18 =	sadd.s32 s26, s6;
	s19 =	sadd.s32 s26, s5;
	s26 =	simm.s32 $0x7210  }
.LBB2_1:
0x19: {  	s0 =	rddreg [dreg:$0x3]  }
0x1a: {  	[tilespmem:s3], [sflag:$0x4] =	stream.linear.gather [hbm4b:s0+s3], $0xC8, $0x38;
	[tilespmem:$0x12D90] =	vst v63  }
0x1b: {  	_ =	swait.ge [sflag:s21], $0xC8  }
0x1c: {  	[sflag:s21] =	ssyncset.done $0x0  }
0x1d: {  	s12 =	rddreg [dreg:$0x4];
	[sflag:s21] =	ssyncadd.s32 $0xFFFFFF38  }
0x1e: {  	[tilespmem:s22], [sflag:$0x4] =	stream.linear.gather [hbm4b:s12+s3], $0xC8, $0x38;
	[tilespmem:$0x12D90] =	vst v63  }
0x1f: {  	_ =	swait.ge [sflag:s21], $0xC8  }
0x20: {  	[sflag:s21] =	ssyncset.done $0x0  }
0x21: {  	[sflag:s21] =	ssyncadd.s32 $0xFFFFFF38  }
0x22: {  	[tilespmem:s23], [sflag:$0x1] =	stream.indirect.gather [hbm4b:s4+s22], $0x90, s3, s22, $0xb8;
	[tilespmem:$0x12D90] =	vst v63  }
0x23: {  	_ =	swait.ge [sflag:s24], $0x7080  }
0x24: {  	[sflag:s24] =	ssyncset.done $0x0  }
0x25: {  	[sflag:s24] =	ssyncadd.s32 $0xFFFF8F80  }
0x26: {  	[tilespmem:s25], [sflag:$0x1] =	stream.indirect.gather [hbm4b:s2+s22], $0x30, s22, s22, $0xb8;
	[tilespmem:$0x12D90] =	vst v63  }
0x27: {  	_ =	swait.ge [sflag:s24], $0x2580  }
0x28: {  	[sflag:s24] =	ssyncset.done $0x0  }
0x29: {  	s1 =	rddreg [dreg:$0x5];
	[sflag:s24] =	ssyncadd.s32 $0xFFFFDA80  }
0x2a: {  	[hbm4b:s1+s3] =	stream.linear.scatter [tilespmem:s23], [sflag:$0x2], $0x7080, $0x38;
	[tilespmem:$0x12D90] =	vst v63  }
0x2b: {  	s7 =	rddreg [dreg:$0x6]  }
0x2c: {  	[hbm4b:s7+s3] =	stream.linear.scatter [tilespmem:s25], [sflag:$0x2], $0x2580, $0x38;
	[tilespmem:$0x12D90] =	vst v63  }
0x2d: {  	s8 =	rddreg [dreg:$0x7]  }
0x2e: {  	[tilespmem:s3], [sflag:$0x4] =	stream.linear.gather [hbm4b:s8+s3], $0xC8, $0x38;
	[tilespmem:$0x12D90] =	vst v63  }
0x2f: {  	_ =	swait.ge [sflag:s21], $0xC8  }
0x30: {  	[sflag:s21] =	ssyncset.done $0x0  }
0x31: {  	s9 =	rddreg [dreg:$0x8];
	[sflag:s21] =	ssyncadd.s32 $0xFFFFFF38  }
0x32: {  	[tilespmem:s22], [sflag:$0x4] =	stream.linear.gather [hbm4b:s9+s3], $0xC8, $0x38;
	[tilespmem:$0x12D90] =	vst v63  }
0x33: {  	_ =	swait.ge [sflag:s21], $0xC8  }
0x34: {  	[sflag:s21] =	ssyncset.done $0x0  }
0x35: {  	[sflag:s21] =	ssyncadd.s32 $0xFFFFFF38  }
0x36: {  	[tilespmem:s26], [sflag:$0x1] =	stream.indirect.gather [hbm4b:s4+s22], $0x90, s3, s22, $0xb8;
	[tilespmem:$0x12D90] =	vst v63  }
0x37: {  	_ =	swait.ge [sflag:s24], $0x7080  }
0x38: {  	[sflag:s24] =	ssyncset.done $0x0  }
0x39: {  	[sflag:s24] =	ssyncadd.s32 $0xFFFF8F80  }
0x3a: {  	[tilespmem:s28], [sflag:$0x1] =	stream.indirect.gather [hbm4b:s2+s22], $0x30, s22, s22, $0xb8;
	[tilespmem:$0x12D90] =	vst v63  }
0x3b: {  	_ =	swait.ge [sflag:s24], $0x2580  }
0x3c: {  	[sflag:s24] =	ssyncset.done $0x0  }
0x3d: {  	[sflag:s24] =	ssyncadd.s32 $0xFFFFDA80  }
0x3e: {  	[hbm4b:s13+s3] =	stream.linear.scatter [tilespmem:s26], [sflag:$0x3], $0x7080, $0x38;
	[tilespmem:$0x12D90] =	vst v63  }
0x3f: {  	_ = 	snop  }
0x40: {  	[hbm4b:s14+s3] =	stream.linear.scatter [tilespmem:s28], [sflag:$0x3], $0x2580, $0x38;
	[tilespmem:$0x12D90] =	vst v63  }
0x41: {  	_ =	swait.ge [sflag:s29], $0x7080  }
0x42: {  	[sflag:s29] =	ssyncset.done $0x0  }
0x43: {  	[sflag:s29] =	ssyncadd.s32 $0xFFFF8F80  }
0x44: {  	_ =	swait.ge [sflag:s29], $0x2580  }
0x45: {  	s10 =	sshrl.u32 s20, $0x3;
	[sflag:s29] =	ssyncset.done $0x0  }
0x46: {  	s1 =	sadd.s32 s5, s10;
	[sflag:s29] =	ssyncadd.s32 $0xFFFFDA80  }
0x47: {  	[tilespmem:s3], [sflag:$0x4] =	stream.linear.gather [hbm4b:s1+s3], $0xC8, $0x38;
	[tilespmem:$0x12D90] =	vst v63  }
0x48: {  	_ =	swait.ge [sflag:s21], $0xC8  }
0x49: {  	[sflag:s21] =	ssyncset.done $0x0  }
0x4a: {  	s0 =	sadd.s32 s6, s10;
	[sflag:s21] =	ssyncadd.s32 $0xFFFFFF38  }
0x4b: {  	[tilespmem:s22], [sflag:$0x4] =	stream.linear.gather [hbm4b:s0+s3], $0xC8, $0x38;
	[tilespmem:$0x12D90] =	vst v63  }
0x4c: {  	_ =	swait.ge [sflag:s21], $0xC8  }
0x4d: {  	[sflag:s21] =	ssyncset.done $0x0  }
0x4e: {  	[sflag:s21] =	ssyncadd.s32 $0xFFFFFF38  }
0x4f: {  	[tilespmem:s23], [sflag:$0x1] =	stream.indirect.gather [hbm4b:s4+s22], $0x90, s3, s22, $0xb8;
	[tilespmem:$0x12D90] =	vst v63  }
0x50: {  	_ =	swait.ge [sflag:s24], $0x7080  }
0x51: {  	[sflag:s24] =	ssyncset.done $0x0  }
0x52: {  	[sflag:s24] =	ssyncadd.s32 $0xFFFF8F80  }
0x53: {  	[tilespmem:s25], [sflag:$0x1] =	stream.indirect.gather [hbm4b:s2+s22], $0x30, s22, s22, $0xb8;
	[tilespmem:$0x12D90] =	vst v63  }
0x54: {  	_ =	swait.ge [sflag:s24], $0x2580  }
0x55: {  	[sflag:s24] =	ssyncset.done $0x0  }
0x56: {  	s11 =	sadd.s32 $0xFFFFF1F0, s17;
	s8 =	sadd.s32 $0x0, s16;
	[sflag:s24] =	ssyncadd.s32 $0xFFFFDA80  }
0x57: {  	[hbm4b:s11+s3] =	stream.linear.scatter [tilespmem:s23], [sflag:$0x2], $0x7080, $0x38;
	[tilespmem:$0x12D90] =	vst v63  }
0x58: {  	s12 =	sadd.s32 $0x960, s8  }
0x59: {  	[hbm4b:s12+s3] =	stream.linear.scatter [tilespmem:s25], [sflag:$0x2], $0x2580, $0x38;
	[tilespmem:$0x12D90] =	vst v63  }
0x5a: {  	_ =	swait.ge [sflag:s30], $0x7080  }
0x5b: {  	[sflag:s30] =	ssyncset.done $0x0  }
0x5c: {  	[sflag:s30] =	ssyncadd.s32 $0xFFFF8F80  }
0x5d: {  	_ =	swait.ge [sflag:s30], $0x2580  }
0x5e: {  	[sflag:s30] =	ssyncset.done $0x0  }
0x5f: {  	[sflag:s30] =	ssyncadd.s32 $0xFFFFDA80  }
0x60: {  	[tilespmem:s3], [sflag:$0x4] =	stream.linear.gather [hbm4b:s19+s3], $0xC8, $0x38;
	[tilespmem:$0x12D90] =	vst v63  }
0x61: {  	_ =	swait.ge [sflag:s21], $0xC8  }
0x62: {  	[sflag:s21] =	ssyncset.done $0x0  }
0x63: {  	[sflag:s21] =	ssyncadd.s32 $0xFFFFFF38  }
0x64: {  	[tilespmem:s22], [sflag:$0x4] =	stream.linear.gather [hbm4b:s18+s3], $0xC8, $0x38;
	[tilespmem:$0x12D90] =	vst v63  }
0x65: {  	_ =	swait.ge [sflag:s21], $0xC8  }
0x66: {  	[sflag:s21] =	ssyncset.done $0x0  }
0x67: {  	[sflag:s21] =	ssyncadd.s32 $0xFFFFFF38  }
0x68: {  	[tilespmem:s26], [sflag:$0x1] =	stream.indirect.gather [hbm4b:s4+s22], $0x90, s3, s22, $0xb8;
	[tilespmem:$0x12D90] =	vst v63  }
0x69: {  	_ =	swait.ge [sflag:s24], $0x7080  }
0x6a: {  	[sflag:s24] =	ssyncset.done $0x0  }
0x6b: {  	[sflag:s24] =	ssyncadd.s32 $0xFFFF8F80  }
0x6c: {  	[tilespmem:s28], [sflag:$0x1] =	stream.indirect.gather [hbm4b:s2+s22], $0x30, s22, s22, $0xb8;
	[tilespmem:$0x12D90] =	vst v63  }
0x6d: {  	s7 =	sadd.s32 $0x190, s20;
	s10 =	sadd.s32 $0xE10, s8;
	_ =	swait.ge [sflag:s24], $0x2580  }
0x6e: {  	s8 =	sadd.s32 $0x1C20, s17;
	s9 =	sadd.s32 $0x32, s18;
	[sflag:s24] =	ssyncset.done $0x0  }
0x6f: {  	s1 =	sadd.s32 $0x32, s19;
	s0 =	simm.s32 $0x960;
	[sflag:s24] =	ssyncadd.s32 $0xFFFFDA80  }
0x70: {  	[hbm4b:s17+s3] =	stream.linear.scatter [tilespmem:s26], [sflag:$0x3], $0x7080, $0x38;
	[tilespmem:$0x12D90] =	vst v63  }
.LBB2_2:
0x71: {  	[hbm4b:s10+s3] =	stream.linear.scatter [tilespmem:s28], [sflag:$0x3], $0x2580, $0x38;
	[tilespmem:$0x12D90] =	vst v63  }
0x72: {  	s10 =	smov.u32 s0  }
0x73: {  	p0 =	sne.s32 s0, $0xD7A0;
	s0 =	sadd.s32 $0x960, s0;
	_ =	swait.ge [sflag:s29], $0x7080  }
0x74: {  	[sflag:s29] =	ssyncset.done $0x0  }
0x75: {  	[sflag:s29] =	ssyncadd.s32 $0xFFFF8F80  }
0x76: {  	_ =	swait.ge [sflag:s29], $0x2580  }
0x77: {  	s11 =	sshrl.u32 s7, $0x3;
	[sflag:s29] =	ssyncset.done $0x0  }
0x78: {  	s12 =	sadd.s32 s5, s11;
	[sflag:s29] =	ssyncadd.s32 $0xFFFFDA80  }
0x79: {  	[tilespmem:s3], [sflag:$0x4] =	stream.linear.gather [hbm4b:s12+s3], $0xC8, $0x38;
	[tilespmem:$0x12D90] =	vst v63  }
0x7a: {  	_ =	swait.ge [sflag:s21], $0xC8  }
0x7b: {  	[sflag:s21] =	ssyncset.done $0x0  }
0x7c: {  	s11 =	sadd.s32 s6, s11;
	[sflag:s21] =	ssyncadd.s32 $0xFFFFFF38  }
0x7d: {  	[tilespmem:s22], [sflag:$0x4] =	stream.linear.gather [hbm4b:s11+s3], $0xC8, $0x38;
	[tilespmem:$0x12D90] =	vst v63  }
0x7e: {  	_ =	swait.ge [sflag:s21], $0xC8  }
0x7f: {  	[sflag:s21] =	ssyncset.done $0x0  }
0x80: {  	[sflag:s21] =	ssyncadd.s32 $0xFFFFFF38  }
0x81: {  	[tilespmem:s23], [sflag:$0x1] =	stream.indirect.gather [hbm4b:s4+s22], $0x90, s3, s22, $0xb8;
	[tilespmem:$0x12D90] =	vst v63  }
0x82: {  	_ =	swait.ge [sflag:s24], $0x7080  }
0x83: {  	[sflag:s24] =	ssyncset.done $0x0  }
0x84: {  	[sflag:s24] =	ssyncadd.s32 $0xFFFF8F80  }
0x85: {  	[tilespmem:s25], [sflag:$0x1] =	stream.indirect.gather [hbm4b:s2+s22], $0x30, s22, s22, $0xb8;
	[tilespmem:$0x12D90] =	vst v63  }
0x86: {  	_ =	swait.ge [sflag:s24], $0x2580  }
0x87: {  	[sflag:s24] =	ssyncset.done $0x0  }
0x88: {  	s10 =	sadd.s32 s10, s16;
	s11 =	sadd.s32 $0xFFFFF1F0, s8;
	[sflag:s24] =	ssyncadd.s32 $0xFFFFDA80  }
0x89: {  	[hbm4b:s11+s3] =	stream.linear.scatter [tilespmem:s23], [sflag:$0x2], $0x7080, $0x38;
	[tilespmem:$0x12D90] =	vst v63  }
0x8a: {  	s11 =	sadd.s32 $0x960, s10  }
0x8b: {  	[hbm4b:s11+s3] =	stream.linear.scatter [tilespmem:s25], [sflag:$0x2], $0x2580, $0x38;
	[tilespmem:$0x12D90] =	vst v63  }
0x8c: {  	_ =	swait.ge [sflag:s30], $0x7080  }
0x8d: {  	[sflag:s30] =	ssyncset.done $0x0  }
0x8e: {  	[sflag:s30] =	ssyncadd.s32 $0xFFFF8F80  }
0x8f: {  	_ =	swait.ge [sflag:s30], $0x2580  }
0x90: {  	[sflag:s30] =	ssyncset.done $0x0  }
0x91: {  	[sflag:s30] =	ssyncadd.s32 $0xFFFFDA80  }
0x92: {  	[tilespmem:s3], [sflag:$0x4] =	stream.linear.gather [hbm4b:s1+s3], $0xC8, $0x38;
	[tilespmem:$0x12D90] =	vst v63  }
0x93: {  	_ =	swait.ge [sflag:s21], $0xC8  }
0x94: {  	[sflag:s21] =	ssyncset.done $0x0  }
0x95: {  	[sflag:s21] =	ssyncadd.s32 $0xFFFFFF38  }
0x96: {  	[tilespmem:s22], [sflag:$0x4] =	stream.linear.gather [hbm4b:s9+s3], $0xC8, $0x38;
	[tilespmem:$0x12D90] =	vst v63  }
0x97: {  	_ =	swait.ge [sflag:s21], $0xC8  }
0x98: {  	[sflag:s21] =	ssyncset.done $0x0  }
0x99: {  	[sflag:s21] =	ssyncadd.s32 $0xFFFFFF38  }
0x9a: {  	[tilespmem:s26], [sflag:$0x1] =	stream.indirect.gather [hbm4b:s4+s22], $0x90, s3, s22, $0xb8;
	[tilespmem:$0x12D90] =	vst v63  }
0x9b: {  	_ =	swait.ge [sflag:s24], $0x7080  }
0x9c: {  	[sflag:s24] =	ssyncset.done $0x0  }
0x9d: {  	[sflag:s24] =	ssyncadd.s32 $0xFFFF8F80  }
0x9e: {  	[tilespmem:s28], [sflag:$0x1] =	stream.indirect.gather [hbm4b:s2+s22], $0x30, s22, s22, $0xb8;
	[tilespmem:$0x12D90] =	vst v63  }
.Ltmp0:
0x9f: {  	_ =	swait.ge [sflag:s24], $0x2580;
	(pc) =	sbr.rel @p0 .LBB2_2-.Ltmp0, $4  }
0xa0: {  	[sflag:s24] =	ssyncset.done $0x0  }
0xa1: {  	s7 =	sadd.s32 $0x190, s7;
	s1 =	sadd.s32 $0x32, s1;
	[sflag:s24] =	ssyncadd.s32 $0xFFFFDA80  }
0xa2: {  	[hbm4b:s8+s3] =	stream.linear.scatter [tilespmem:s26], [sflag:$0x3], $0x7080, $0x38;
	[tilespmem:$0x12D90] =	vst v63  }
0xa3: {  	s10 =	sadd.s32 $0xE10, s10;
	s9 =	sadd.s32 $0x32, s9;
	s8 =	sadd.s32 $0x1C20, s8  }
0xa4: {  	[hbm4b:s10+s3] =	stream.linear.scatter [tilespmem:s28], [sflag:$0x3], $0x2580, $0x38;
	[tilespmem:$0x12D90] =	vst v63  }
0xa5: {  	_ =	swait.ge [sflag:s29], $0x7080  }
0xa6: {  	[sflag:s29] =	ssyncset.done $0x0  }
0xa7: {  	[sflag:s29] =	ssyncadd.s32 $0xFFFF8F80  }
0xa8: {  	_ =	swait.ge [sflag:s29], $0x2580  }
0xa9: {  	[sflag:s29] =	ssyncset.done $0x0  }
0xaa: {  	s31 =	sadd.s32 $0x1, s31;
	[sflag:s29] =	ssyncadd.s32 $0xFFFFDA80  }
0xab: {  	p0 =	sne.s32 s31, s15;
	_ =	swait.ge [sflag:s30], $0x7080  }
.Ltmp1:
0xac: {  	[sflag:s30] =	ssyncset.done $0x0;
	(pc) =	sbr.rel @p0 .LBB2_1-.Ltmp1, $4  }
0xad: {  	[sflag:s30] =	ssyncadd.s32 $0xFFFF8F80  }
0xae: {  	_ =	swait.ge [sflag:s30], $0x2580  }
0xaf: {  	[sflag:s30] =	ssyncset.done $0x0  }
0xb0: {  	[sflag:s30] =	ssyncadd.s32 $0xFFFFDA80  }
0xb1: {  	_ =	sfence.sel $0x180000  }
0xb2: {  	[bflag:$0x0] =	sbarrier.arrive $0xFFFF  }
0xb3: {  	_ =	strace $0x90000047  }
0xb4: {  	s0 =	stileid.u32;
	[bflag:$0x2] =	sbarrier.arrive $0xFFFF  }
0xb5: {  	p0 =	sne.s32 s0, $0x0;
	s0 =	rddreg [dreg:$0x2]  }
0xb6: {  	s0 =	sadd.s32 @!p0 $0x100000, s0  }
0xb7: {  	[sflag:s0] =	ssyncadd.tile.s32 @!p0 $0x1;
	_ =	shalt  }
.Lfunc_end2:
_tile_overlayer_lowered:
.L_overlay_start_2:
0xb8: {  	(tag) =	ssettag $0x2  }
0xb9: {  	s0 =	rddreg [dreg:$0x0];
	s2 =	stileid.u32  }
0xba: {  	s1 =	rddreg [dreg:$0x1];
	p0 =	sne.s32 s2, $0x0  }
0xbb: {  	s3 =	rddreg [dreg:$0x2];
	[bflag:$0x3] =	sbarrier.arrive $0xFFFF;
	s2 =	simm.s32 @!p0 $0x1C04  }
0xbc: {  	[timem:s3], [sflag:s2] =	dma.local @!p0 [hbm:s0], s1  }
0xbd: {  	s0 =	simm.s32 @!p0 $0x4  }
0xbe: {  	_ =	swait.ge @!p0 [sflag:s0], s1  }
0xbf: {  	s1 =	ssub.s32 @!p0 $0x0, s1;
	[sflag:s0] =	ssyncset.done @!p0 $0x0  }
0xc0: {  	[sflag:s0] =	ssyncadd.s32 @!p0 s1  }
0xc1: {  	[bflag:$0x3] =	sbarrier.arrive $0xFFFF  }
0xc2: {  	_ =	shalt  }

</sc_bundles>
